<compile_context>
chip_gen: v7x
topology: tpu7x:2x2x1
jax: 0.10.2.dev20260603
libtpu: 0.0.44.dev20260713+nightly
codegen_flags: <defaults>
</compile_context>

<pallas_src>
import functools

import jax
import jax.numpy as jnp
from jax import lax
from jax.experimental import pallas as pl
from jax.experimental.pallas import tpu as pltpu
from jax.experimental.pallas import tpu_sc as plsc

N_CB = 8
CB_SIZE = 2048
D = 1024
B = 4
T = 4096

NUM_CORES = 2
NUM_SUBCORES = 16
NUM_WORKERS = NUM_CORES * NUM_SUBCORES
ROWS_PER_W = (B * T) // NUM_WORKERS
CHUNK = 16
N_CHUNKS = ROWS_PER_W // CHUNK
N_PAIRS = N_CHUNKS // 2
VREGS_PER_ROW = D // 16


def _body(x_hbm, tab_hbm, out_hbm, idx_v, acc0_v, acc1_v,
          bufa_v, bufb_v, bufc_v, bufd_v,
          sa0, sa1, sba, sbb, sbc, sbd, so0, so1):
    wid = lax.axis_index("s") * NUM_CORES + lax.axis_index("c")
    tpw = T // (NUM_WORKERS // B)
    b = wid // (NUM_WORKERS // B)
    t0 = (wid % (NUM_WORKERS // B)) * tpw
    wbase = wid * ROWS_PER_W

    pltpu.sync_copy(x_hbm.at[b, :, pl.ds(t0, tpw)], idx_v)

    @pl.loop(0, tpw // 16)
    def _offsets(j):
        sl = pl.ds(j * 16, 16)
        for i in range(1, N_CB):
            idx_v[i, sl] = idx_v[i, sl] + i * CB_SIZE

    def gather(cb, r0, dst, sem):
        pltpu.async_copy(tab_hbm.at[idx_v.at[cb, pl.ds(r0, CHUNK)]], dst, sem)

    def wait_gather(dst, sem):
        pltpu.make_async_copy(
            tab_hbm.at[idx_v.at[0, pl.ds(0, CHUNK)]], dst, sem).wait()

    def out_write(acc, r0, sem):
        pltpu.async_copy(acc, out_hbm.at[pl.ds(wbase + r0, CHUNK)], sem)

    def wait_out(acc, sem):
        pltpu.make_async_copy(acc, out_hbm.at[pl.ds(0, CHUNK)], sem).wait()

    def acc_pair(acc, u, v):
        @plsc.parallel_loop(0, CHUNK * VREGS_PER_ROW, 1, unroll=8)
        def _vregs(j):
            r = j // VREGS_PER_ROW
            sl = pl.ds((j % VREGS_PER_ROW) * 16, 16)
            plsc.addupdate(acc.at[r, sl], u[r, sl] + v[r, sl])

    def acc_one(acc, u):
        @plsc.parallel_loop(0, CHUNK * VREGS_PER_ROW, 1, unroll=16)
        def _vregs(j):
            r = j // VREGS_PER_ROW
            sl = pl.ds((j % VREGS_PER_ROW) * 16, 16)
            plsc.addupdate(acc.at[r, sl], u[r, sl])

    def do_chunk(r0, acc, sa, so, acc_o, sa_o, so_o,
                 out_wait_cond, prefetch_cond):
        r_next = r0 + CHUNK

        wait_gather(acc, sa)
        wait_gather(bufa_v, sba)
        wait_gather(bufb_v, sbb)
        acc_pair(acc, bufa_v, bufb_v)
        gather(5, r0, bufa_v, sba)
        gather(6, r0, bufb_v, sbb)

        @pl.when(out_wait_cond)
        def _drain_prev_out():
            wait_out(acc_o, so_o)

        @pl.when(prefetch_cond)
        def _pf0():
            gather(0, r_next, acc_o, sa_o)

        wait_gather(bufc_v, sbc)
        wait_gather(bufd_v, sbd)
        acc_pair(acc, bufc_v, bufd_v)
        gather(7, r0, bufc_v, sbc)

        @pl.when(prefetch_cond)
        def _pf4():
            gather(4, r_next, bufd_v, sbd)

        wait_gather(bufa_v, sba)
        wait_gather(bufb_v, sbb)
        acc_pair(acc, bufa_v, bufb_v)

        @pl.when(prefetch_cond)
        def _pf12():
            gather(1, r_next, bufa_v, sba)
            gather(2, r_next, bufb_v, sbb)

        wait_gather(bufc_v, sbc)
        acc_one(acc, bufc_v)

        @pl.when(prefetch_cond)
        def _pf3():
            gather(3, r_next, bufc_v, sbc)

        out_write(acc, r0, so)

    gather(0, 0, acc0_v, sa0)
    gather(1, 0, bufa_v, sba)
    gather(2, 0, bufb_v, sbb)
    gather(3, 0, bufc_v, sbc)
    gather(4, 0, bufd_v, sbd)

    true_ = jnp.bool_(True)

    @pl.loop(0, N_PAIRS)
    def _pair(j):
        r0 = 2 * j * CHUNK
        do_chunk(r0, acc0_v, sa0, so0, acc1_v, sa1, so1,
                 out_wait_cond=j > 0, prefetch_cond=true_)
        do_chunk(r0 + CHUNK, acc1_v, sa1, so1, acc0_v, sa0, so0,
                 out_wait_cond=true_, prefetch_cond=j < N_PAIRS - 1)

    wait_out(acc1_v, so1)


@jax.jit
def _run(x, tables):
    tab_flat = tables.reshape(N_CB * CB_SIZE, D)
    mesh = plsc.VectorSubcoreMesh(core_axis_name="c", subcore_axis_name="s")
    call = pl.kernel(
        _body,
        out_type=jax.ShapeDtypeStruct((B * T, D), jnp.float32),
        mesh=mesh,
        scratch_types=[
            pltpu.VMEM((N_CB, ROWS_PER_W), jnp.int32),
            pltpu.VMEM((CHUNK, D), jnp.float32),
            pltpu.VMEM((CHUNK, D), jnp.float32),
            pltpu.VMEM((CHUNK, D), jnp.float32),
            pltpu.VMEM((CHUNK, D), jnp.float32),
            pltpu.VMEM((CHUNK, D), jnp.float32),
            pltpu.VMEM((CHUNK, D), jnp.float32),
            pltpu.SemaphoreType.DMA,
            pltpu.SemaphoreType.DMA,
            pltpu.SemaphoreType.DMA,
            pltpu.SemaphoreType.DMA,
            pltpu.SemaphoreType.DMA,
            pltpu.SemaphoreType.DMA,
            pltpu.SemaphoreType.DMA,
            pltpu.SemaphoreType.DMA,
        ],
    )
    out_flat = call(x, tab_flat)
    return out_flat.reshape(B, T, D)


def kernel(x, tables):
    return _run(x.astype(jnp.int32), tables)

# --- scband reference (transcript-rebuilt; emitter-appended) ---
"""Pipeline reference for scband-input-embeddings-5411658793537 (READ-ONLY COPY).

The authoritative reference and input builder live on the scoring server;
editing this copy changes nothing except your own understanding.
"""

import jax, jax.numpy as jnp
import numpy as np

N_CODEBOOKS = 8
CODEBOOK_SIZE = 2048
D_MODEL = 1024
B = 4
T = 4096


def setup_inputs(seed: int = 0) -> dict:
    key = jax.random.key(seed)
    k1, k2 = jax.random.split(key)
    x = jax.random.randint(k1, (B, N_CODEBOOKS, T), 0, CODEBOOK_SIZE, dtype=jnp.int64 if jax.config.jax_enable_x64 else jnp.int32)
    # Stacked embedding tables: one [codebook_size, d_model] table per codebook,
    # matching nn.ModuleList([nn.Embedding(codebook_size, d_model) for _ in range(n_codebooks)])
    tables = jax.random.normal(k2, (N_CODEBOOKS, CODEBOOK_SIZE, D_MODEL), dtype=jnp.float32)
    return {"x": x, "tables": tables}


def reference(x, tables):
    """x: int[B, N, T]; tables: float32[N, codebook_size, d_model] -> float32[B, T, d_model].

    Faithful translation of: embeddings = sum(embed_i(x[:, i, :]) for i in range(n_codebooks)).
    """
    Bb, N, Tt = x.shape
    D = tables.shape[2]
    out = jnp.zeros((Bb, Tt, D), dtype=tables.dtype)
    for i in range(N):
        # embedding lookup == row gather from table i
        out = out + jnp.take(tables[i], x[:, i, :], axis=0)
    return out

if __name__ == "__main__":
    import jax
    _d = setup_inputs()
    print(jax.jit(kernel)(*tuple(_d.values())))

</pallas_src>

<mosaic_0001>
#map = affine_map<(d0, d1) -> (0, 0, 0)>
#map1 = affine_map<(d0, d1) -> (0, 0)>
module attributes {stable_mosaic.version = 14 : i64} {
  func.func @_body(%arg0: i32, %arg1: i32, %arg2: memref<4x8x4096xi32, #tpu.memory_space<hbm>>, %arg3: memref<16384x1024xf32, #tpu.memory_space<hbm>>, %arg4: memref<16384x1024xf32, #tpu.memory_space<hbm>>, %arg5: memref<8x512xi32, #tpu.memory_space<vmem>>, %arg6: memref<16x1024xf32, #tpu.memory_space<vmem>>, %arg7: memref<16x1024xf32, #tpu.memory_space<vmem>>, %arg8: memref<16x1024xf32, #tpu.memory_space<vmem>>, %arg9: memref<16x1024xf32, #tpu.memory_space<vmem>>, %arg10: memref<16x1024xf32, #tpu.memory_space<vmem>>, %arg11: memref<16x1024xf32, #tpu.memory_space<vmem>>, %arg12: memref<!tpu.dma_semaphore, #tpu.memory_space<semaphore_mem>>, %arg13: memref<!tpu.dma_semaphore, #tpu.memory_space<semaphore_mem>>, %arg14: memref<!tpu.dma_semaphore, #tpu.memory_space<semaphore_mem>>, %arg15: memref<!tpu.dma_semaphore, #tpu.memory_space<semaphore_mem>>, %arg16: memref<!tpu.dma_semaphore, #tpu.memory_space<semaphore_mem>>, %arg17: memref<!tpu.dma_semaphore, #tpu.memory_space<semaphore_mem>>, %arg18: memref<!tpu.dma_semaphore, #tpu.memory_space<semaphore_mem>>, %arg19: memref<!tpu.dma_semaphore, #tpu.memory_space<semaphore_mem>>) attributes {dimension_semantics = [#tpu.dimension_semantics<core_parallel>, #tpu.dimension_semantics<subcore_parallel>], iteration_bounds = array<i64: 2, 16>, scalar_prefetch = 0 : i64, scratch_operands = 15 : i64, tpu.core_type = #tpu.core_type<sc_vector_subcore>, window_params = [{transform_indices = #map}, {transform_indices = #map1}, {transform_indices = #map1}]} {
    %mul3A = arith.constant 2 : i32
    %mul3A_0 = arith.muli %arg1, %mul3A : i32
    %add3A = arith.addi %mul3A_0, %arg0 : i32
    %jit3A = arith.constant 8 : i32
    %div3A = arith.divsi %add3A, %jit3A : i32
    %sign3A = arith.constant 0 : i32
    %sign3A_1 = arith.cmpi sgt, %add3A, %sign3A : i32
    %sign3A_2 = arith.extui %sign3A_1 : i1 to i32
    %sign3A_3 = arith.constant 0 : i32
    %sign3A_4 = arith.cmpi slt, %add3A, %sign3A_3 : i32
    %sign3A_5 = arith.extui %sign3A_4 : i1 to i32
    %sign3A_6 = arith.subi %sign3A_2, %sign3A_5 : i32
    %sign3A_7 = arith.constant 0 : i32
    %sign3A_8 = arith.cmpi sgt, %jit3A, %sign3A_7 : i32
    %sign3A_9 = arith.extui %sign3A_8 : i1 to i32
    %sign3A_10 = arith.constant 0 : i32
    %sign3A_11 = arith.cmpi slt, %jit3A, %sign3A_10 : i32
    %sign3A_12 = arith.extui %sign3A_11 : i1 to i32
    %sign3A_13 = arith.subi %sign3A_9, %sign3A_12 : i32
    %ne3A = arith.cmpi ne, %sign3A_6, %sign3A_13 : i32
    %rem3A = arith.remsi %add3A, %jit3A : i32
    %ne3A_14 = arith.constant 0 : i32
    %ne3A_15 = arith.cmpi ne, %rem3A, %ne3A_14 : i32
    %and3A = arith.andi %ne3A, %ne3A_15 : i1
    %sub3A = arith.constant 1 : i32
    %sub3A_16 = arith.subi %div3A, %sub3A : i32
    %select_n3A = arith.select %and3A, %sub3A_16, %div3A : i32
    %jit3A_17 = arith.constant 8 : i32
    %eq3A = arith.constant 0 : i32
    %eq3A_18 = arith.cmpi eq, %jit3A_17, %eq3A : i32
    %jit3A_19 = arith.constant 1 : i32
    %select_n3A_20 = arith.select %eq3A_18, %jit3A_19, %jit3A_17 : i32
    %rem3A_21 = arith.remsi %add3A, %select_n3A_20 : i32
    %ne3A_22 = arith.constant 0 : i32
    %ne3A_23 = arith.cmpi ne, %rem3A_21, %ne3A_22 : i32
    %lt3A = arith.constant 0 : i32
    %lt3A_24 = arith.cmpi slt, %rem3A_21, %lt3A : i32
    %lt3A_25 = arith.constant 0 : i32
    %lt3A_26 = arith.cmpi slt, %select_n3A_20, %lt3A_25 : i32
    %ne3A_27 = arith.xori %lt3A_24, %lt3A_26 : i1
    %and3A_28 = arith.andi %ne3A_27, %ne3A_23 : i1
    %add3A_29 = arith.addi %rem3A_21, %select_n3A_20 : i32
    %select_n3A_30 = arith.select %and3A_28, %add3A_29, %rem3A_21 : i32
    %mul3A_31 = arith.constant 512 : i32
    %mul3A_32 = arith.muli %select_n3A_30, %mul3A_31 : i32
    %mul3A_33 = arith.constant 512 : i32
    %mul3A_34 = arith.muli %add3A, %mul3A_33 : i32
    "tpu.region"() ({
      %run_scoped3A = tpu.sem_alloc : memref<!tpu.dma_semaphore, #tpu.memory_space<semaphore_mem>>
      %dma_start3A_84 = arith.constant 0 : i32
      %dma_start3A_85 = tpu.memref_slice %arg2[%select_n3A, %dma_start3A_84, %mul3A_32] : memref<4x8x4096xi32, #tpu.memory_space<hbm>> -> memref<1x8x512xi32, #tpu.memory_space<hbm>>
      %dma_start3A_86 = tpu.memref_squeeze %dma_start3A_85 : memref<1x8x512xi32, #tpu.memory_space<hbm>> -> memref<8x512xi32, #tpu.memory_space<hbm>>
      %dma_start3A_87 = arith.constant 0 : i32
      %dma_start3A_88 = tpu.memref_slice %arg2[%select_n3A, %dma_start3A_87, %mul3A_32] : memref<4x8x4096xi32, #tpu.memory_space<hbm>> -> memref<1x8x512xi32, #tpu.memory_space<hbm>>
      %dma_start3A_89 = tpu.memref_squeeze %dma_start3A_88 : memref<1x8x512xi32, #tpu.memory_space<hbm>> -> memref<8x512xi32, #tpu.memory_space<hbm>>
      tpu.enqueue_dma source(%dma_start3A_89 : memref<8x512xi32, #tpu.memory_space<hbm>>) target(%arg5 : memref<8x512xi32, #tpu.memory_space<vmem>>) target_semaphore(%run_scoped3A : memref<!tpu.dma_semaphore, #tpu.memory_space<semaphore_mem>>)
      %dma_wait3A_90 = arith.constant 0 : i32
      %dma_wait3A_91 = tpu.memref_slice %arg2[%select_n3A, %dma_wait3A_90, %mul3A_32] : memref<4x8x4096xi32, #tpu.memory_space<hbm>> -> memref<1x8x512xi32, #tpu.memory_space<hbm>>
      %dma_wait3A_92 = tpu.memref_squeeze %dma_wait3A_91 : memref<1x8x512xi32, #tpu.memory_space<hbm>> -> memref<8x512xi32, #tpu.memory_space<hbm>>
      %dma_wait3A_93 = arith.constant 0 : i32
      %dma_wait3A_94 = tpu.memref_slice %arg2[%select_n3A, %dma_wait3A_93, %mul3A_32] : memref<4x8x4096xi32, #tpu.memory_space<hbm>> -> memref<1x8x512xi32, #tpu.memory_space<hbm>>
      %dma_wait3A_95 = tpu.memref_squeeze %dma_wait3A_94 : memref<1x8x512xi32, #tpu.memory_space<hbm>> -> memref<8x512xi32, #tpu.memory_space<hbm>>
      tpu.wait_dma2 semaphore(%run_scoped3A : memref<!tpu.dma_semaphore, #tpu.memory_space<semaphore_mem>>) src(%dma_wait3A_95 : memref<8x512xi32, #tpu.memory_space<hbm>>) dst(%arg5 : memref<8x512xi32, #tpu.memory_space<vmem>>)
      tpu.yield
    }) : () -> ()
    %scan3A = arith.constant 0 : i32
    %scan3A_35 = arith.constant 32 : i32
    %scan3A_36 = arith.addi %scan3A, %scan3A_35 : i32
    %scan3A_37 = arith.constant 1 : i32
    scf.for %scan3A_84 = %scan3A to %scan3A_36 step %scan3A_37  : i32 {
      %mul3A_85 = arith.constant 1 : i32
      %mul3A_86 = arith.muli %scan3A_84, %mul3A_85 : i32
      %add3A_87 = arith.constant 0 : i32
      %add3A_88 = arith.addi %add3A_87, %mul3A_86 : i32
      %mul3A_89 = arith.constant 16 : i32
      %mul3A_90 = arith.muli %add3A_88, %mul3A_89 : i32
      %get3A = arith.constant 1 : i32
      %get3A_91 = arith.index_cast %get3A : i32 to index
      %get3A_92 = arith.index_cast %mul3A_90 : i32 to index
      %get3A_93 = tpu.vector_load %arg5[%get3A_91, %get3A_92] {strides = array<i32>} : memref<8x512xi32, #tpu.memory_space<vmem>>, vector<1x16xi32>,
      %get3A_94 = vector.shape_cast %get3A_93 : vector<1x16xi32> to vector<16xi32>
      %add3A_95 = arith.constant 2048 : i32
      %add3A_96 = vector.broadcast %add3A_95 : i32 to vector<16xi32>
      %add3A_97 = arith.addi %get3A_94, %add3A_96 : vector<16xi32>
      %swap3A = arith.constant 1 : i32
      %swap3A_98 = arith.index_cast %swap3A : i32 to index
      %swap3A_99 = arith.index_cast %mul3A_90 : i32 to index
      %swap3A_100 = tpu.vector_load %arg5[%swap3A_98, %swap3A_99] {strides = array<i32>} : memref<8x512xi32, #tpu.memory_space<vmem>>, vector<1x16xi32>,
      %swap3A_101 = vector.shape_cast %swap3A_100 : vector<1x16xi32> to vector<16xi32>
      %swap3A_102 = vector.shape_cast %add3A_97 : vector<16xi32> to vector<1x16xi32>
      tpu.vector_store %arg5[%swap3A_98, %swap3A_99], %swap3A_102 {strides = array<i32>} : memref<8x512xi32, #tpu.memory_space<vmem>>, vector<1x16xi32>,
      %get3A_103 = arith.constant 2 : i32
      %get3A_104 = arith.index_cast %get3A_103 : i32 to index
      %get3A_105 = arith.index_cast %mul3A_90 : i32 to index
      %get3A_106 = tpu.vector_load %arg5[%get3A_104, %get3A_105] {strides = array<i32>} : memref<8x512xi32, #tpu.memory_space<vmem>>, vector<1x16xi32>,
      %get3A_107 = vector.shape_cast %get3A_106 : vector<1x16xi32> to vector<16xi32>
      %add3A_108 = arith.constant 4096 : i32
      %add3A_109 = vector.broadcast %add3A_108 : i32 to vector<16xi32>
      %add3A_110 = arith.addi %get3A_107, %add3A_109 : vector<16xi32>
      %swap3A_111 = arith.constant 2 : i32
      %swap3A_112 = arith.index_cast %swap3A_111 : i32 to index
      %swap3A_113 = arith.index_cast %mul3A_90 : i32 to index
      %swap3A_114 = tpu.vector_load %arg5[%swap3A_112, %swap3A_113] {strides = array<i32>} : memref<8x512xi32, #tpu.memory_space<vmem>>, vector<1x16xi32>,
      %swap3A_115 = vector.shape_cast %swap3A_114 : vector<1x16xi32> to vector<16xi32>
      %swap3A_116 = vector.shape_cast %add3A_110 : vector<16xi32> to vector<1x16xi32>
      tpu.vector_store %arg5[%swap3A_112, %swap3A_113], %swap3A_116 {strides = array<i32>} : memref<8x512xi32, #tpu.memory_space<vmem>>, vector<1x16xi32>,
      %get3A_117 = arith.constant 3 : i32
      %get3A_118 = arith.index_cast %get3A_117 : i32 to index
      %get3A_119 = arith.index_cast %mul3A_90 : i32 to index
      %get3A_120 = tpu.vector_load %arg5[%get3A_118, %get3A_119] {strides = array<i32>} : memref<8x512xi32, #tpu.memory_space<vmem>>, vector<1x16xi32>,
      %get3A_121 = vector.shape_cast %get3A_120 : vector<1x16xi32> to vector<16xi32>
      %add3A_122 = arith.constant 6144 : i32
      %add3A_123 = vector.broadcast %add3A_122 : i32 to vector<16xi32>
      %add3A_124 = arith.addi %get3A_121, %add3A_123 : vector<16xi32>
      %swap3A_125 = arith.constant 3 : i32
      %swap3A_126 = arith.index_cast %swap3A_125 : i32 to index
      %swap3A_127 = arith.index_cast %mul3A_90 : i32 to index
      %swap3A_128 = tpu.vector_load %arg5[%swap3A_126, %swap3A_127] {strides = array<i32>} : memref<8x512xi32, #tpu.memory_space<vmem>>, vector<1x16xi32>,
      %swap3A_129 = vector.shape_cast %swap3A_128 : vector<1x16xi32> to vector<16xi32>
      %swap3A_130 = vector.shape_cast %add3A_124 : vector<16xi32> to vector<1x16xi32>
      tpu.vector_store %arg5[%swap3A_126, %swap3A_127], %swap3A_130 {strides = array<i32>} : memref<8x512xi32, #tpu.memory_space<vmem>>, vector<1x16xi32>,
      %get3A_131 = arith.constant 4 : i32
      %get3A_132 = arith.index_cast %get3A_131 : i32 to index
      %get3A_133 = arith.index_cast %mul3A_90 : i32 to index
      %get3A_134 = tpu.vector_load %arg5[%get3A_132, %get3A_133] {strides = array<i32>} : memref<8x512xi32, #tpu.memory_space<vmem>>, vector<1x16xi32>,
      %get3A_135 = vector.shape_cast %get3A_134 : vector<1x16xi32> to vector<16xi32>
      %add3A_136 = arith.constant 8192 : i32
      %add3A_137 = vector.broadcast %add3A_136 : i32 to vector<16xi32>
      %add3A_138 = arith.addi %get3A_135, %add3A_137 : vector<16xi32>
      %swap3A_139 = arith.constant 4 : i32
      %swap3A_140 = arith.index_cast %swap3A_139 : i32 to index
      %swap3A_141 = arith.index_cast %mul3A_90 : i32 to index
      %swap3A_142 = tpu.vector_load %arg5[%swap3A_140, %swap3A_141] {strides = array<i32>} : memref<8x512xi32, #tpu.memory_space<vmem>>, vector<1x16xi32>,
      %swap3A_143 = vector.shape_cast %swap3A_142 : vector<1x16xi32> to vector<16xi32>
      %swap3A_144 = vector.shape_cast %add3A_138 : vector<16xi32> to vector<1x16xi32>
      tpu.vector_store %arg5[%swap3A_140, %swap3A_141], %swap3A_144 {strides = array<i32>} : memref<8x512xi32, #tpu.memory_space<vmem>>, vector<1x16xi32>,
      %get3A_145 = arith.constant 5 : i32
      %get3A_146 = arith.index_cast %get3A_145 : i32 to index
      %get3A_147 = arith.index_cast %mul3A_90 : i32 to index
      %get3A_148 = tpu.vector_load %arg5[%get3A_146, %get3A_147] {strides = array<i32>} : memref<8x512xi32, #tpu.memory_space<vmem>>, vector<1x16xi32>,
      %get3A_149 = vector.shape_cast %get3A_148 : vector<1x16xi32> to vector<16xi32>
      %add3A_150 = arith.constant 10240 : i32
      %add3A_151 = vector.broadcast %add3A_150 : i32 to vector<16xi32>
      %add3A_152 = arith.addi %get3A_149, %add3A_151 : vector<16xi32>
      %swap3A_153 = arith.constant 5 : i32
      %swap3A_154 = arith.index_cast %swap3A_153 : i32 to index
      %swap3A_155 = arith.index_cast %mul3A_90 : i32 to index
      %swap3A_156 = tpu.vector_load %arg5[%swap3A_154, %swap3A_155] {strides = array<i32>} : memref<8x512xi32, #tpu.memory_space<vmem>>, vector<1x16xi32>,
      %swap3A_157 = vector.shape_cast %swap3A_156 : vector<1x16xi32> to vector<16xi32>
      %swap3A_158 = vector.shape_cast %add3A_152 : vector<16xi32> to vector<1x16xi32>
      tpu.vector_store %arg5[%swap3A_154, %swap3A_155], %swap3A_158 {strides = array<i32>} : memref<8x512xi32, #tpu.memory_space<vmem>>, vector<1x16xi32>,
      %get3A_159 = arith.constant 6 : i32
      %get3A_160 = arith.index_cast %get3A_159 : i32 to index
      %get3A_161 = arith.index_cast %mul3A_90 : i32 to index
      %get3A_162 = tpu.vector_load %arg5[%get3A_160, %get3A_161] {strides = array<i32>} : memref<8x512xi32, #tpu.memory_space<vmem>>, vector<1x16xi32>,
      %get3A_163 = vector.shape_cast %get3A_162 : vector<1x16xi32> to vector<16xi32>
      %add3A_164 = arith.constant 12288 : i32
      %add3A_165 = vector.broadcast %add3A_164 : i32 to vector<16xi32>
      %add3A_166 = arith.addi %get3A_163, %add3A_165 : vector<16xi32>
      %swap3A_167 = arith.constant 6 : i32
      %swap3A_168 = arith.index_cast %swap3A_167 : i32 to index
      %swap3A_169 = arith.index_cast %mul3A_90 : i32 to index
      %swap3A_170 = tpu.vector_load %arg5[%swap3A_168, %swap3A_169] {strides = array<i32>} : memref<8x512xi32, #tpu.memory_space<vmem>>, vector<1x16xi32>,
      %swap3A_171 = vector.shape_cast %swap3A_170 : vector<1x16xi32> to vector<16xi32>
      %swap3A_172 = vector.shape_cast %add3A_166 : vector<16xi32> to vector<1x16xi32>
      tpu.vector_store %arg5[%swap3A_168, %swap3A_169], %swap3A_172 {strides = array<i32>} : memref<8x512xi32, #tpu.memory_space<vmem>>, vector<1x16xi32>,
      %get3A_173 = arith.constant 7 : i32
      %get3A_174 = arith.index_cast %get3A_173 : i32 to index
      %get3A_175 = arith.index_cast %mul3A_90 : i32 to index
      %get3A_176 = tpu.vector_load %arg5[%get3A_174, %get3A_175] {strides = array<i32>} : memref<8x512xi32, #tpu.memory_space<vmem>>, vector<1x16xi32>,
      %get3A_177 = vector.shape_cast %get3A_176 : vector<1x16xi32> to vector<16xi32>
      %add3A_178 = arith.constant 14336 : i32
      %add3A_179 = vector.broadcast %add3A_178 : i32 to vector<16xi32>
      %add3A_180 = arith.addi %get3A_177, %add3A_179 : vector<16xi32>
      %swap3A_181 = arith.constant 7 : i32
      %swap3A_182 = arith.index_cast %swap3A_181 : i32 to index
      %swap3A_183 = arith.index_cast %mul3A_90 : i32 to index
      %swap3A_184 = tpu.vector_load %arg5[%swap3A_182, %swap3A_183] {strides = array<i32>} : memref<8x512xi32, #tpu.memory_space<vmem>>, vector<1x16xi32>,
      %swap3A_185 = vector.shape_cast %swap3A_184 : vector<1x16xi32> to vector<16xi32>
      %swap3A_186 = vector.shape_cast %add3A_180 : vector<16xi32> to vector<1x16xi32>
      tpu.vector_store %arg5[%swap3A_182, %swap3A_183], %swap3A_186 {strides = array<i32>} : memref<8x512xi32, #tpu.memory_space<vmem>>, vector<1x16xi32>,
    }
    %scan3A_38 = arith.constant 32 : i32
    %dma_start3A = arith.constant 0 : i32
    %dma_start3A_39 = arith.constant 0 : i32
    %dma_start3A_40 = tpu.memref_slice %arg5[%dma_start3A, %dma_start3A_39] : memref<8x512xi32, #tpu.memory_space<vmem>> -> memref<1x16xi32, #tpu.memory_space<vmem>>
    %dma_start3A_41 = tpu.memref_squeeze %dma_start3A_40 : memref<1x16xi32, #tpu.memory_space<vmem>> -> memref<16xi32, #tpu.memory_space<vmem>>
    %dma_start3A_42 = arith.constant 0 : i32
    %dma_start3A_43 = arith.constant 0 : i32
    %dma_start3A_44 = tpu.memref_slice %arg3[%dma_start3A_42, %dma_start3A_43] : memref<16384x1024xf32, #tpu.memory_space<hbm>> -> memref<16384x1024xf32, #tpu.memory_space<hbm>>
    tpu.enqueue_indirect_dma source(%dma_start3A_44 : memref<16384x1024xf32, #tpu.memory_space<hbm>>) target(%arg6 : memref<16x1024xf32, #tpu.memory_space<vmem>>) offsets(%dma_start3A_41 : memref<16xi32, #tpu.memory_space<vmem>>) semaphore(%arg12 : memref<!tpu.dma_semaphore, #tpu.memory_space<semaphore_mem>>)
    %dma_start3A_45 = arith.constant 1 : i32
    %dma_start3A_46 = arith.constant 0 : i32
    %dma_start3A_47 = tpu.memref_slice %arg5[%dma_start3A_45, %dma_start3A_46] : memref<8x512xi32, #tpu.memory_space<vmem>> -> memref<1x16xi32, #tpu.memory_space<vmem>>
    %dma_start3A_48 = tpu.memref_squeeze %dma_start3A_47 : memref<1x16xi32, #tpu.memory_space<vmem>> -> memref<16xi32, #tpu.memory_space<vmem>>
    %dma_start3A_49 = arith.constant 0 : i32
    %dma_start3A_50 = arith.constant 0 : i32
    %dma_start3A_51 = tpu.memref_slice %arg3[%dma_start3A_49, %dma_start3A_50] : memref<16384x1024xf32, #tpu.memory_space<hbm>> -> memref<16384x1024xf32, #tpu.memory_space<hbm>>
    tpu.enqueue_indirect_dma source(%dma_start3A_51 : memref<16384x1024xf32, #tpu.memory_space<hbm>>) target(%arg8 : memref<16x1024xf32, #tpu.memory_space<vmem>>) offsets(%dma_start3A_48 : memref<16xi32, #tpu.memory_space<vmem>>) semaphore(%arg14 : memref<!tpu.dma_semaphore, #tpu.memory_space<semaphore_mem>>)
    %dma_start3A_52 = arith.constant 2 : i32
    %dma_start3A_53 = arith.constant 0 : i32
    %dma_start3A_54 = tpu.memref_slice %arg5[%dma_start3A_52, %dma_start3A_53] : memref<8x512xi32, #tpu.memory_space<vmem>> -> memref<1x16xi32, #tpu.memory_space<vmem>>
    %dma_start3A_55 = tpu.memref_squeeze %dma_start3A_54 : memref<1x16xi32, #tpu.memory_space<vmem>> -> memref<16xi32, #tpu.memory_space<vmem>>
    %dma_start3A_56 = arith.constant 0 : i32
    %dma_start3A_57 = arith.constant 0 : i32
    %dma_start3A_58 = tpu.memref_slice %arg3[%dma_start3A_56, %dma_start3A_57] : memref<16384x1024xf32, #tpu.memory_space<hbm>> -> memref<16384x1024xf32, #tpu.memory_space<hbm>>
    tpu.enqueue_indirect_dma source(%dma_start3A_58 : memref<16384x1024xf32, #tpu.memory_space<hbm>>) target(%arg9 : memref<16x1024xf32, #tpu.memory_space<vmem>>) offsets(%dma_start3A_55 : memref<16xi32, #tpu.memory_space<vmem>>) semaphore(%arg15 : memref<!tpu.dma_semaphore, #tpu.memory_space<semaphore_mem>>)
    %dma_start3A_59 = arith.constant 3 : i32
    %dma_start3A_60 = arith.constant 0 : i32
    %dma_start3A_61 = tpu.memref_slice %arg5[%dma_start3A_59, %dma_start3A_60] : memref<8x512xi32, #tpu.memory_space<vmem>> -> memref<1x16xi32, #tpu.memory_space<vmem>>
    %dma_start3A_62 = tpu.memref_squeeze %dma_start3A_61 : memref<1x16xi32, #tpu.memory_space<vmem>> -> memref<16xi32, #tpu.memory_space<vmem>>
    %dma_start3A_63 = arith.constant 0 : i32
    %dma_start3A_64 = arith.constant 0 : i32
    %dma_start3A_65 = tpu.memref_slice %arg3[%dma_start3A_63, %dma_start3A_64] : memref<16384x1024xf32, #tpu.memory_space<hbm>> -> memref<16384x1024xf32, #tpu.memory_space<hbm>>
    tpu.enqueue_indirect_dma source(%dma_start3A_65 : memref<16384x1024xf32, #tpu.memory_space<hbm>>) target(%arg10 : memref<16x1024xf32, #tpu.memory_space<vmem>>) offsets(%dma_start3A_62 : memref<16xi32, #tpu.memory_space<vmem>>) semaphore(%arg16 : memref<!tpu.dma_semaphore, #tpu.memory_space<semaphore_mem>>)
    %dma_start3A_66 = arith.constant 4 : i32
    %dma_start3A_67 = arith.constant 0 : i32
    %dma_start3A_68 = tpu.memref_slice %arg5[%dma_start3A_66, %dma_start3A_67] : memref<8x512xi32, #tpu.memory_space<vmem>> -> memref<1x16xi32, #tpu.memory_space<vmem>>
    %dma_start3A_69 = tpu.memref_squeeze %dma_start3A_68 : memref<1x16xi32, #tpu.memory_space<vmem>> -> memref<16xi32, #tpu.memory_space<vmem>>
    %dma_start3A_70 = arith.constant 0 : i32
    %dma_start3A_71 = arith.constant 0 : i32
    %dma_start3A_72 = tpu.memref_slice %arg3[%dma_start3A_70, %dma_start3A_71] : memref<16384x1024xf32, #tpu.memory_space<hbm>> -> memref<16384x1024xf32, #tpu.memory_space<hbm>>
    tpu.enqueue_indirect_dma source(%dma_start3A_72 : memref<16384x1024xf32, #tpu.memory_space<hbm>>) target(%arg11 : memref<16x1024xf32, #tpu.memory_space<vmem>>) offsets(%dma_start3A_69 : memref<16xi32, #tpu.memory_space<vmem>>) semaphore(%arg17 : memref<!tpu.dma_semaphore, #tpu.memory_space<semaphore_mem>>)
    %scan3A_73 = arith.constant true
    %scan3A_74 = arith.constant 0 : i32
    %scan3A_75 = arith.constant 16 : i32
    %scan3A_76 = arith.addi %scan3A_74, %scan3A_75 : i32
    %scan3A_77 = arith.constant 1 : i32
    scf.for %scan3A_84 = %scan3A_74 to %scan3A_76 step %scan3A_77  : i32 {
      %mul3A_85 = arith.constant 1 : i32
      %mul3A_86 = arith.muli %scan3A_84, %mul3A_85 : i32
      %add3A_87 = arith.constant 0 : i32
      %add3A_88 = arith.addi %add3A_87, %mul3A_86 : i32
      %mul3A_89 = arith.constant 2 : i32
      %mul3A_90 = arith.muli %mul3A_89, %add3A_88 : i32
      %mul3A_91 = arith.constant 16 : i32
      %mul3A_92 = arith.muli %mul3A_90, %mul3A_91 : i32
      %gt3A = arith.constant 0 : i32
      %gt3A_93 = arith.cmpi sgt, %add3A_88, %gt3A : i32
      %add3A_94 = arith.constant 16 : i32
      %add3A_95 = arith.addi %mul3A_92, %add3A_94 : i32
      %dma_wait3A_96 = arith.constant 0 : i32
      %dma_wait3A_97 = arith.constant 0 : i32
      %dma_wait3A_98 = tpu.memref_slice %arg5[%dma_wait3A_96, %dma_wait3A_97] : memref<8x512xi32, #tpu.memory_space<vmem>> -> memref<1x16xi32, #tpu.memory_space<vmem>>
      %dma_wait3A_99 = tpu.memref_squeeze %dma_wait3A_98 : memref<1x16xi32, #tpu.memory_space<vmem>> -> memref<16xi32, #tpu.memory_space<vmem>>
      %dma_wait3A_100 = arith.constant 0 : i32
      %dma_wait3A_101 = arith.constant 0 : i32
      %dma_wait3A_102 = tpu.memref_slice %arg3[%dma_wait3A_100, %dma_wait3A_101] : memref<16384x1024xf32, #tpu.memory_space<hbm>> -> memref<16384x1024xf32, #tpu.memory_space<hbm>>
      tpu.wait_indirect_dma semaphore(%arg12 : memref<!tpu.dma_semaphore, #tpu.memory_space<semaphore_mem>>) src(%dma_wait3A_102 : memref<16384x1024xf32, #tpu.memory_space<hbm>>) dst(%arg6 : memref<16x1024xf32, #tpu.memory_space<vmem>>)
      %dma_wait3A_103 = arith.constant 0 : i32
      %dma_wait3A_104 = arith.constant 0 : i32
      %dma_wait3A_105 = tpu.memref_slice %arg5[%dma_wait3A_103, %dma_wait3A_104] : memref<8x512xi32, #tpu.memory_space<vmem>> -> memref<1x16xi32, #tpu.memory_space<vmem>>
      %dma_wait3A_106 = tpu.memref_squeeze %dma_wait3A_105 : memref<1x16xi32, #tpu.memory_space<vmem>> -> memref<16xi32, #tpu.memory_space<vmem>>
      %dma_wait3A_107 = arith.constant 0 : i32
      %dma_wait3A_108 = arith.constant 0 : i32
      %dma_wait3A_109 = tpu.memref_slice %arg3[%dma_wait3A_107, %dma_wait3A_108] : memref<16384x1024xf32, #tpu.memory_space<hbm>> -> memref<16384x1024xf32, #tpu.memory_space<hbm>>
      tpu.wait_indirect_dma semaphore(%arg14 : memref<!tpu.dma_semaphore, #tpu.memory_space<semaphore_mem>>) src(%dma_wait3A_109 : memref<16384x1024xf32, #tpu.memory_space<hbm>>) dst(%arg8 : memref<16x1024xf32, #tpu.memory_space<vmem>>)
      %dma_wait3A_110 = arith.constant 0 : i32
      %dma_wait3A_111 = arith.constant 0 : i32
      %dma_wait3A_112 = tpu.memref_slice %arg5[%dma_wait3A_110, %dma_wait3A_111] : memref<8x512xi32, #tpu.memory_space<vmem>> -> memref<1x16xi32, #tpu.memory_space<vmem>>
      %dma_wait3A_113 = tpu.memref_squeeze %dma_wait3A_112 : memref<1x16xi32, #tpu.memory_space<vmem>> -> memref<16xi32, #tpu.memory_space<vmem>>
      %dma_wait3A_114 = arith.constant 0 : i32
      %dma_wait3A_115 = arith.constant 0 : i32
      %dma_wait3A_116 = tpu.memref_slice %arg3[%dma_wait3A_114, %dma_wait3A_115] : memref<16384x1024xf32, #tpu.memory_space<hbm>> -> memref<16384x1024xf32, #tpu.memory_space<hbm>>
      tpu.wait_indirect_dma semaphore(%arg15 : memref<!tpu.dma_semaphore, #tpu.memory_space<semaphore_mem>>) src(%dma_wait3A_116 : memref<16384x1024xf32, #tpu.memory_space<hbm>>) dst(%arg9 : memref<16x1024xf32, #tpu.memory_space<vmem>>)
      %parallel_loop3A = arith.constant 0 : i32
      %parallel_loop3A_117 = arith.constant 1024 : i32
      %parallel_loop3A_118 = arith.constant 1 : i32
      scf.for %parallel_loop3A_311 = %parallel_loop3A to %parallel_loop3A_117 step %parallel_loop3A_118  : i32 {
        %parallel_loop3A_312 = arith.constant 64 : i32
        %parallel_loop3A_313 = arith.divsi %parallel_loop3A_311, %parallel_loop3A_312 : i32
        %parallel_loop3A_314 = arith.constant 0 : i32
        %parallel_loop3A_315 = arith.cmpi sgt, %parallel_loop3A_311, %parallel_loop3A_314 : i32
        %parallel_loop3A_316 = arith.extui %parallel_loop3A_315 : i1 to i32
        %parallel_loop3A_317 = arith.constant 0 : i32
        %parallel_loop3A_318 = arith.cmpi slt, %parallel_loop3A_311, %parallel_loop3A_317 : i32
        %parallel_loop3A_319 = arith.extui %parallel_loop3A_318 : i1 to i32
        %parallel_loop3A_320 = arith.subi %parallel_loop3A_316, %parallel_loop3A_319 : i32
        %parallel_loop3A_321 = arith.constant 0 : i32
        %parallel_loop3A_322 = arith.cmpi sgt, %parallel_loop3A_312, %parallel_loop3A_321 : i32
        %parallel_loop3A_323 = arith.extui %parallel_loop3A_322 : i1 to i32
        %parallel_loop3A_324 = arith.constant 0 : i32
        %parallel_loop3A_325 = arith.cmpi slt, %parallel_loop3A_312, %parallel_loop3A_324 : i32
        %parallel_loop3A_326 = arith.extui %parallel_loop3A_325 : i1 to i32
        %parallel_loop3A_327 = arith.subi %parallel_loop3A_323, %parallel_loop3A_326 : i32
        %parallel_loop3A_328 = arith.cmpi ne, %parallel_loop3A_320, %parallel_loop3A_327 : i32
        %parallel_loop3A_329 = arith.remsi %parallel_loop3A_311, %parallel_loop3A_312 : i32
        %parallel_loop3A_330 = arith.constant 0 : i32
        %parallel_loop3A_331 = arith.cmpi ne, %parallel_loop3A_329, %parallel_loop3A_330 : i32
        %parallel_loop3A_332 = arith.andi %parallel_loop3A_328, %parallel_loop3A_331 : i1
        %parallel_loop3A_333 = arith.constant 1 : i32
        %parallel_loop3A_334 = arith.subi %parallel_loop3A_313, %parallel_loop3A_333 : i32
        %parallel_loop3A_335 = arith.select %parallel_loop3A_332, %parallel_loop3A_334, %parallel_loop3A_313 : i32
        %parallel_loop3A_336 = arith.constant 64 : i32
        %parallel_loop3A_337 = arith.constant 0 : i32
        %parallel_loop3A_338 = arith.cmpi eq, %parallel_loop3A_336, %parallel_loop3A_337 : i32
        %parallel_loop3A_339 = arith.constant 1 : i32
        %parallel_loop3A_340 = arith.select %parallel_loop3A_338, %parallel_loop3A_339, %parallel_loop3A_336 : i32
        %parallel_loop3A_341 = arith.remsi %parallel_loop3A_311, %parallel_loop3A_340 : i32
        %parallel_loop3A_342 = arith.constant 0 : i32
        %parallel_loop3A_343 = arith.cmpi ne, %parallel_loop3A_341, %parallel_loop3A_342 : i32
        %parallel_loop3A_344 = arith.constant 0 : i32
        %parallel_loop3A_345 = arith.cmpi slt, %parallel_loop3A_341, %parallel_loop3A_344 : i32
        %parallel_loop3A_346 = arith.constant 0 : i32
        %parallel_loop3A_347 = arith.cmpi slt, %parallel_loop3A_340, %parallel_loop3A_346 : i32
        %parallel_loop3A_348 = arith.xori %parallel_loop3A_345, %parallel_loop3A_347 : i1
        %parallel_loop3A_349 = arith.andi %parallel_loop3A_348, %parallel_loop3A_343 : i1
        %parallel_loop3A_350 = arith.addi %parallel_loop3A_341, %parallel_loop3A_340 : i32
        %parallel_loop3A_351 = arith.select %parallel_loop3A_349, %parallel_loop3A_350, %parallel_loop3A_341 : i32
        %parallel_loop3A_352 = arith.constant 16 : i32
        %parallel_loop3A_353 = arith.muli %parallel_loop3A_351, %parallel_loop3A_352 : i32
        %parallel_loop3A_354 = arith.index_cast %parallel_loop3A_335 : i32 to index
        %parallel_loop3A_355 = arith.index_cast %parallel_loop3A_353 : i32 to index
        %parallel_loop3A_356 = tpu.vector_load %arg8[%parallel_loop3A_354, %parallel_loop3A_355] {strides = array<i32>} : memref<16x1024xf32, #tpu.memory_space<vmem>>, vector<1x16xf32>,
        %parallel_loop3A_357 = vector.shape_cast %parallel_loop3A_356 : vector<1x16xf32> to vector<16xf32>
        %parallel_loop3A_358 = arith.index_cast %parallel_loop3A_335 : i32 to index
        %parallel_loop3A_359 = arith.index_cast %parallel_loop3A_353 : i32 to index
        %parallel_loop3A_360 = tpu.vector_load %arg9[%parallel_loop3A_358, %parallel_loop3A_359] {strides = array<i32>} : memref<16x1024xf32, #tpu.memory_space<vmem>>, vector<1x16xf32>,
        %parallel_loop3A_361 = vector.shape_cast %parallel_loop3A_360 : vector<1x16xf32> to vector<16xf32>
        %parallel_loop3A_362 = arith.addf %parallel_loop3A_357, %parallel_loop3A_361 : vector<16xf32>
        %parallel_loop3A_363 = arith.index_cast %parallel_loop3A_335 : i32 to index
        %parallel_loop3A_364 = arith.index_cast %parallel_loop3A_353 : i32 to index
        %parallel_loop3A_365 = tpu.vector_load %arg6[%parallel_loop3A_363, %parallel_loop3A_364] {strides = array<i32>} : memref<16x1024xf32, #tpu.memory_space<vmem>>, vector<1x16xf32>,
        %parallel_loop3A_366 = vector.shape_cast %parallel_loop3A_365 : vector<1x16xf32> to vector<16xf32>
        %parallel_loop3A_367 = vector.shape_cast %parallel_loop3A_362 : vector<16xf32> to vector<1x16xf32>
        tpu.vector_store %arg6[%parallel_loop3A_363, %parallel_loop3A_364], %parallel_loop3A_367 {add = true, strides = array<i32>} : memref<16x1024xf32, #tpu.memory_space<vmem>>, vector<1x16xf32>,
      } {sc.loop_unroll_factor = 8 : i64, sc.parallel_access}
      %dma_start3A_119 = arith.constant 5 : i32
      %dma_start3A_120 = tpu.memref_slice %arg5[%dma_start3A_119, %mul3A_92] : memref<8x512xi32, #tpu.memory_space<vmem>> -> memref<1x16xi32, #tpu.memory_space<vmem>>
      %dma_start3A_121 = tpu.memref_squeeze %dma_start3A_120 : memref<1x16xi32, #tpu.memory_space<vmem>> -> memref<16xi32, #tpu.memory_space<vmem>>
      %dma_start3A_122 = arith.constant 0 : i32
      %dma_start3A_123 = arith.constant 0 : i32
      %dma_start3A_124 = tpu.memref_slice %arg3[%dma_start3A_122, %dma_start3A_123] : memref<16384x1024xf32, #tpu.memory_space<hbm>> -> memref<16384x1024xf32, #tpu.memory_space<hbm>>
      tpu.enqueue_indirect_dma source(%dma_start3A_124 : memref<16384x1024xf32, #tpu.memory_space<hbm>>) target(%arg8 : memref<16x1024xf32, #tpu.memory_space<vmem>>) offsets(%dma_start3A_121 : memref<16xi32, #tpu.memory_space<vmem>>) semaphore(%arg14 : memref<!tpu.dma_semaphore, #tpu.memory_space<semaphore_mem>>)
      %dma_start3A_125 = arith.constant 6 : i32
      %dma_start3A_126 = tpu.memref_slice %arg5[%dma_start3A_125, %mul3A_92] : memref<8x512xi32, #tpu.memory_space<vmem>> -> memref<1x16xi32, #tpu.memory_space<vmem>>
      %dma_start3A_127 = tpu.memref_squeeze %dma_start3A_126 : memref<1x16xi32, #tpu.memory_space<vmem>> -> memref<16xi32, #tpu.memory_space<vmem>>
      %dma_start3A_128 = arith.constant 0 : i32
      %dma_start3A_129 = arith.constant 0 : i32
      %dma_start3A_130 = tpu.memref_slice %arg3[%dma_start3A_128, %dma_start3A_129] : memref<16384x1024xf32, #tpu.memory_space<hbm>> -> memref<16384x1024xf32, #tpu.memory_space<hbm>>
      tpu.enqueue_indirect_dma source(%dma_start3A_130 : memref<16384x1024xf32, #tpu.memory_space<hbm>>) target(%arg9 : memref<16x1024xf32, #tpu.memory_space<vmem>>) offsets(%dma_start3A_127 : memref<16xi32, #tpu.memory_space<vmem>>) semaphore(%arg15 : memref<!tpu.dma_semaphore, #tpu.memory_space<semaphore_mem>>)
      %convert_element_type3A = arith.extui %gt3A_93 : i1 to i32
      %cond3A = arith.constant 0 : i32
      %cond3A_131 = arith.cmpi ne, %convert_element_type3A, %cond3A : i32
      scf.if %cond3A_131 {
        %dma_wait3A_311 = arith.constant 0 : i32
        %dma_wait3A_312 = arith.constant 0 : i32
        %dma_wait3A_313 = tpu.memref_slice %arg4[%dma_wait3A_311, %dma_wait3A_312] : memref<16384x1024xf32, #tpu.memory_space<hbm>> -> memref<16x1024xf32, #tpu.memory_space<hbm>>
        %dma_wait3A_314 = arith.constant 0 : i32
        %dma_wait3A_315 = arith.constant 0 : i32
        %dma_wait3A_316 = tpu.memref_slice %arg4[%dma_wait3A_314, %dma_wait3A_315] : memref<16384x1024xf32, #tpu.memory_space<hbm>> -> memref<16x1024xf32, #tpu.memory_space<hbm>>
        tpu.wait_dma2 semaphore(%arg19 : memref<!tpu.dma_semaphore, #tpu.memory_space<semaphore_mem>>) src(%arg7 : memref<16x1024xf32, #tpu.memory_space<vmem>>) dst(%dma_wait3A_316 : memref<16x1024xf32, #tpu.memory_space<hbm>>)
      } else {
      }
      %convert_element_type3A_132 = arith.extui %scan3A_73 : i1 to i32
      %cond3A_133 = arith.constant 0 : i32
      %cond3A_134 = arith.cmpi ne, %convert_element_type3A_132, %cond3A_133 : i32
      scf.if %cond3A_134 {
        %dma_start3A_311 = arith.constant 0 : i32
        %dma_start3A_312 = tpu.memref_slice %arg5[%dma_start3A_311, %add3A_95] : memref<8x512xi32, #tpu.memory_space<vmem>> -> memref<1x16xi32, #tpu.memory_space<vmem>>
        %dma_start3A_313 = tpu.memref_squeeze %dma_start3A_312 : memref<1x16xi32, #tpu.memory_space<vmem>> -> memref<16xi32, #tpu.memory_space<vmem>>
        %dma_start3A_314 = arith.constant 0 : i32
        %dma_start3A_315 = arith.constant 0 : i32
        %dma_start3A_316 = tpu.memref_slice %arg3[%dma_start3A_314, %dma_start3A_315] : memref<16384x1024xf32, #tpu.memory_space<hbm>> -> memref<16384x1024xf32, #tpu.memory_space<hbm>>
        tpu.enqueue_indirect_dma source(%dma_start3A_316 : memref<16384x1024xf32, #tpu.memory_space<hbm>>) target(%arg7 : memref<16x1024xf32, #tpu.memory_space<vmem>>) offsets(%dma_start3A_313 : memref<16xi32, #tpu.memory_space<vmem>>) semaphore(%arg13 : memref<!tpu.dma_semaphore, #tpu.memory_space<semaphore_mem>>)
      } else {
      }
      %dma_wait3A_135 = arith.constant 0 : i32
      %dma_wait3A_136 = arith.constant 0 : i32
      %dma_wait3A_137 = tpu.memref_slice %arg5[%dma_wait3A_135, %dma_wait3A_136] : memref<8x512xi32, #tpu.memory_space<vmem>> -> memref<1x16xi32, #tpu.memory_space<vmem>>
      %dma_wait3A_138 = tpu.memref_squeeze %dma_wait3A_137 : memref<1x16xi32, #tpu.memory_space<vmem>> -> memref<16xi32, #tpu.memory_space<vmem>>
      %dma_wait3A_139 = arith.constant 0 : i32
      %dma_wait3A_140 = arith.constant 0 : i32
      %dma_wait3A_141 = tpu.memref_slice %arg3[%dma_wait3A_139, %dma_wait3A_140] : memref<16384x1024xf32, #tpu.memory_space<hbm>> -> memref<16384x1024xf32, #tpu.memory_space<hbm>>
      tpu.wait_indirect_dma semaphore(%arg16 : memref<!tpu.dma_semaphore, #tpu.memory_space<semaphore_mem>>) src(%dma_wait3A_141 : memref<16384x1024xf32, #tpu.memory_space<hbm>>) dst(%arg10 : memref<16x1024xf32, #tpu.memory_space<vmem>>)
      %dma_wait3A_142 = arith.constant 0 : i32
      %dma_wait3A_143 = arith.constant 0 : i32
      %dma_wait3A_144 = tpu.memref_slice %arg5[%dma_wait3A_142, %dma_wait3A_143] : memref<8x512xi32, #tpu.memory_space<vmem>> -> memref<1x16xi32, #tpu.memory_space<vmem>>
      %dma_wait3A_145 = tpu.memref_squeeze %dma_wait3A_144 : memref<1x16xi32, #tpu.memory_space<vmem>> -> memref<16xi32, #tpu.memory_space<vmem>>
      %dma_wait3A_146 = arith.constant 0 : i32
      %dma_wait3A_147 = arith.constant 0 : i32
      %dma_wait3A_148 = tpu.memref_slice %arg3[%dma_wait3A_146, %dma_wait3A_147] : memref<16384x1024xf32, #tpu.memory_space<hbm>> -> memref<16384x1024xf32, #tpu.memory_space<hbm>>
      tpu.wait_indirect_dma semaphore(%arg17 : memref<!tpu.dma_semaphore, #tpu.memory_space<semaphore_mem>>) src(%dma_wait3A_148 : memref<16384x1024xf32, #tpu.memory_space<hbm>>) dst(%arg11 : memref<16x1024xf32, #tpu.memory_space<vmem>>)
      %parallel_loop3A_149 = arith.constant 0 : i32
      %parallel_loop3A_150 = arith.constant 1024 : i32
      %parallel_loop3A_151 = arith.constant 1 : i32
      scf.for %parallel_loop3A_311 = %parallel_loop3A_149 to %parallel_loop3A_150 step %parallel_loop3A_151  : i32 {
        %parallel_loop3A_312 = arith.constant 64 : i32
        %parallel_loop3A_313 = arith.divsi %parallel_loop3A_311, %parallel_loop3A_312 : i32
        %parallel_loop3A_314 = arith.constant 0 : i32
        %parallel_loop3A_315 = arith.cmpi sgt, %parallel_loop3A_311, %parallel_loop3A_314 : i32
        %parallel_loop3A_316 = arith.extui %parallel_loop3A_315 : i1 to i32
        %parallel_loop3A_317 = arith.constant 0 : i32
        %parallel_loop3A_318 = arith.cmpi slt, %parallel_loop3A_311, %parallel_loop3A_317 : i32
        %parallel_loop3A_319 = arith.extui %parallel_loop3A_318 : i1 to i32
        %parallel_loop3A_320 = arith.subi %parallel_loop3A_316, %parallel_loop3A_319 : i32
        %parallel_loop3A_321 = arith.constant 0 : i32
        %parallel_loop3A_322 = arith.cmpi sgt, %parallel_loop3A_312, %parallel_loop3A_321 : i32
        %parallel_loop3A_323 = arith.extui %parallel_loop3A_322 : i1 to i32
        %parallel_loop3A_324 = arith.constant 0 : i32
        %parallel_loop3A_325 = arith.cmpi slt, %parallel_loop3A_312, %parallel_loop3A_324 : i32
        %parallel_loop3A_326 = arith.extui %parallel_loop3A_325 : i1 to i32
        %parallel_loop3A_327 = arith.subi %parallel_loop3A_323, %parallel_loop3A_326 : i32
        %parallel_loop3A_328 = arith.cmpi ne, %parallel_loop3A_320, %parallel_loop3A_327 : i32
        %parallel_loop3A_329 = arith.remsi %parallel_loop3A_311, %parallel_loop3A_312 : i32
        %parallel_loop3A_330 = arith.constant 0 : i32
        %parallel_loop3A_331 = arith.cmpi ne, %parallel_loop3A_329, %parallel_loop3A_330 : i32
        %parallel_loop3A_332 = arith.andi %parallel_loop3A_328, %parallel_loop3A_331 : i1
        %parallel_loop3A_333 = arith.constant 1 : i32
        %parallel_loop3A_334 = arith.subi %parallel_loop3A_313, %parallel_loop3A_333 : i32
        %parallel_loop3A_335 = arith.select %parallel_loop3A_332, %parallel_loop3A_334, %parallel_loop3A_313 : i32
        %parallel_loop3A_336 = arith.constant 64 : i32
        %parallel_loop3A_337 = arith.constant 0 : i32
        %parallel_loop3A_338 = arith.cmpi eq, %parallel_loop3A_336, %parallel_loop3A_337 : i32
        %parallel_loop3A_339 = arith.constant 1 : i32
        %parallel_loop3A_340 = arith.select %parallel_loop3A_338, %parallel_loop3A_339, %parallel_loop3A_336 : i32
        %parallel_loop3A_341 = arith.remsi %parallel_loop3A_311, %parallel_loop3A_340 : i32
        %parallel_loop3A_342 = arith.constant 0 : i32
        %parallel_loop3A_343 = arith.cmpi ne, %parallel_loop3A_341, %parallel_loop3A_342 : i32
        %parallel_loop3A_344 = arith.constant 0 : i32
        %parallel_loop3A_345 = arith.cmpi slt, %parallel_loop3A_341, %parallel_loop3A_344 : i32
        %parallel_loop3A_346 = arith.constant 0 : i32
        %parallel_loop3A_347 = arith.cmpi slt, %parallel_loop3A_340, %parallel_loop3A_346 : i32
        %parallel_loop3A_348 = arith.xori %parallel_loop3A_345, %parallel_loop3A_347 : i1
        %parallel_loop3A_349 = arith.andi %parallel_loop3A_348, %parallel_loop3A_343 : i1
        %parallel_loop3A_350 = arith.addi %parallel_loop3A_341, %parallel_loop3A_340 : i32
        %parallel_loop3A_351 = arith.select %parallel_loop3A_349, %parallel_loop3A_350, %parallel_loop3A_341 : i32
        %parallel_loop3A_352 = arith.constant 16 : i32
        %parallel_loop3A_353 = arith.muli %parallel_loop3A_351, %parallel_loop3A_352 : i32
        %parallel_loop3A_354 = arith.index_cast %parallel_loop3A_335 : i32 to index
        %parallel_loop3A_355 = arith.index_cast %parallel_loop3A_353 : i32 to index
        %parallel_loop3A_356 = tpu.vector_load %arg10[%parallel_loop3A_354, %parallel_loop3A_355] {strides = array<i32>} : memref<16x1024xf32, #tpu.memory_space<vmem>>, vector<1x16xf32>,
        %parallel_loop3A_357 = vector.shape_cast %parallel_loop3A_356 : vector<1x16xf32> to vector<16xf32>
        %parallel_loop3A_358 = arith.index_cast %parallel_loop3A_335 : i32 to index
        %parallel_loop3A_359 = arith.index_cast %parallel_loop3A_353 : i32 to index
        %parallel_loop3A_360 = tpu.vector_load %arg11[%parallel_loop3A_358, %parallel_loop3A_359] {strides = array<i32>} : memref<16x1024xf32, #tpu.memory_space<vmem>>, vector<1x16xf32>,
        %parallel_loop3A_361 = vector.shape_cast %parallel_loop3A_360 : vector<1x16xf32> to vector<16xf32>
        %parallel_loop3A_362 = arith.addf %parallel_loop3A_357, %parallel_loop3A_361 : vector<16xf32>
        %parallel_loop3A_363 = arith.index_cast %parallel_loop3A_335 : i32 to index
        %parallel_loop3A_364 = arith.index_cast %parallel_loop3A_353 : i32 to index
        %parallel_loop3A_365 = tpu.vector_load %arg6[%parallel_loop3A_363, %parallel_loop3A_364] {strides = array<i32>} : memref<16x1024xf32, #tpu.memory_space<vmem>>, vector<1x16xf32>,
        %parallel_loop3A_366 = vector.shape_cast %parallel_loop3A_365 : vector<1x16xf32> to vector<16xf32>
        %parallel_loop3A_367 = vector.shape_cast %parallel_loop3A_362 : vector<16xf32> to vector<1x16xf32>
        tpu.vector_store %arg6[%parallel_loop3A_363, %parallel_loop3A_364], %parallel_loop3A_367 {add = true, strides = array<i32>} : memref<16x1024xf32, #tpu.memory_space<vmem>>, vector<1x16xf32>,
      } {sc.loop_unroll_factor = 8 : i64, sc.parallel_access}
      %dma_start3A_152 = arith.constant 7 : i32
      %dma_start3A_153 = tpu.memref_slice %arg5[%dma_start3A_152, %mul3A_92] : memref<8x512xi32, #tpu.memory_space<vmem>> -> memref<1x16xi32, #tpu.memory_space<vmem>>
      %dma_start3A_154 = tpu.memref_squeeze %dma_start3A_153 : memref<1x16xi32, #tpu.memory_space<vmem>> -> memref<16xi32, #tpu.memory_space<vmem>>
      %dma_start3A_155 = arith.constant 0 : i32
      %dma_start3A_156 = arith.constant 0 : i32
      %dma_start3A_157 = tpu.memref_slice %arg3[%dma_start3A_155, %dma_start3A_156] : memref<16384x1024xf32, #tpu.memory_space<hbm>> -> memref<16384x1024xf32, #tpu.memory_space<hbm>>
      tpu.enqueue_indirect_dma source(%dma_start3A_157 : memref<16384x1024xf32, #tpu.memory_space<hbm>>) target(%arg10 : memref<16x1024xf32, #tpu.memory_space<vmem>>) offsets(%dma_start3A_154 : memref<16xi32, #tpu.memory_space<vmem>>) semaphore(%arg16 : memref<!tpu.dma_semaphore, #tpu.memory_space<semaphore_mem>>)
      %convert_element_type3A_158 = arith.extui %scan3A_73 : i1 to i32
      %cond3A_159 = arith.constant 0 : i32
      %cond3A_160 = arith.cmpi ne, %convert_element_type3A_158, %cond3A_159 : i32
      scf.if %cond3A_160 {
        %dma_start3A_311 = arith.constant 4 : i32
        %dma_start3A_312 = tpu.memref_slice %arg5[%dma_start3A_311, %add3A_95] : memref<8x512xi32, #tpu.memory_space<vmem>> -> memref<1x16xi32, #tpu.memory_space<vmem>>
        %dma_start3A_313 = tpu.memref_squeeze %dma_start3A_312 : memref<1x16xi32, #tpu.memory_space<vmem>> -> memref<16xi32, #tpu.memory_space<vmem>>
        %dma_start3A_314 = arith.constant 0 : i32
        %dma_start3A_315 = arith.constant 0 : i32
        %dma_start3A_316 = tpu.memref_slice %arg3[%dma_start3A_314, %dma_start3A_315] : memref<16384x1024xf32, #tpu.memory_space<hbm>> -> memref<16384x1024xf32, #tpu.memory_space<hbm>>
        tpu.enqueue_indirect_dma source(%dma_start3A_316 : memref<16384x1024xf32, #tpu.memory_space<hbm>>) target(%arg11 : memref<16x1024xf32, #tpu.memory_space<vmem>>) offsets(%dma_start3A_313 : memref<16xi32, #tpu.memory_space<vmem>>) semaphore(%arg17 : memref<!tpu.dma_semaphore, #tpu.memory_space<semaphore_mem>>)
      } else {
      }
      %dma_wait3A_161 = arith.constant 0 : i32
      %dma_wait3A_162 = arith.constant 0 : i32
      %dma_wait3A_163 = tpu.memref_slice %arg5[%dma_wait3A_161, %dma_wait3A_162] : memref<8x512xi32, #tpu.memory_space<vmem>> -> memref<1x16xi32, #tpu.memory_space<vmem>>
      %dma_wait3A_164 = tpu.memref_squeeze %dma_wait3A_163 : memref<1x16xi32, #tpu.memory_space<vmem>> -> memref<16xi32, #tpu.memory_space<vmem>>
      %dma_wait3A_165 = arith.constant 0 : i32
      %dma_wait3A_166 = arith.constant 0 : i32
      %dma_wait3A_167 = tpu.memref_slice %arg3[%dma_wait3A_165, %dma_wait3A_166] : memref<16384x1024xf32, #tpu.memory_space<hbm>> -> memref<16384x1024xf32, #tpu.memory_space<hbm>>
      tpu.wait_indirect_dma semaphore(%arg14 : memref<!tpu.dma_semaphore, #tpu.memory_space<semaphore_mem>>) src(%dma_wait3A_167 : memref<16384x1024xf32, #tpu.memory_space<hbm>>) dst(%arg8 : memref<16x1024xf32, #tpu.memory_space<vmem>>)
      %dma_wait3A_168 = arith.constant 0 : i32
      %dma_wait3A_169 = arith.constant 0 : i32
      %dma_wait3A_170 = tpu.memref_slice %arg5[%dma_wait3A_168, %dma_wait3A_169] : memref<8x512xi32, #tpu.memory_space<vmem>> -> memref<1x16xi32, #tpu.memory_space<vmem>>
      %dma_wait3A_171 = tpu.memref_squeeze %dma_wait3A_170 : memref<1x16xi32, #tpu.memory_space<vmem>> -> memref<16xi32, #tpu.memory_space<vmem>>
      %dma_wait3A_172 = arith.constant 0 : i32
      %dma_wait3A_173 = arith.constant 0 : i32
      %dma_wait3A_174 = tpu.memref_slice %arg3[%dma_wait3A_172, %dma_wait3A_173] : memref<16384x1024xf32, #tpu.memory_space<hbm>> -> memref<16384x1024xf32, #tpu.memory_space<hbm>>
      tpu.wait_indirect_dma semaphore(%arg15 : memref<!tpu.dma_semaphore, #tpu.memory_space<semaphore_mem>>) src(%dma_wait3A_174 : memref<16384x1024xf32, #tpu.memory_space<hbm>>) dst(%arg9 : memref<16x1024xf32, #tpu.memory_space<vmem>>)
      %parallel_loop3A_175 = arith.constant 0 : i32
      %parallel_loop3A_176 = arith.constant 1024 : i32
      %parallel_loop3A_177 = arith.constant 1 : i32
      scf.for %parallel_loop3A_311 = %parallel_loop3A_175 to %parallel_loop3A_176 step %parallel_loop3A_177  : i32 {
        %parallel_loop3A_312 = arith.constant 64 : i32
        %parallel_loop3A_313 = arith.divsi %parallel_loop3A_311, %parallel_loop3A_312 : i32
        %parallel_loop3A_314 = arith.constant 0 : i32
        %parallel_loop3A_315 = arith.cmpi sgt, %parallel_loop3A_311, %parallel_loop3A_314 : i32
        %parallel_loop3A_316 = arith.extui %parallel_loop3A_315 : i1 to i32
        %parallel_loop3A_317 = arith.constant 0 : i32
        %parallel_loop3A_318 = arith.cmpi slt, %parallel_loop3A_311, %parallel_loop3A_317 : i32
        %parallel_loop3A_319 = arith.extui %parallel_loop3A_318 : i1 to i32
        %parallel_loop3A_320 = arith.subi %parallel_loop3A_316, %parallel_loop3A_319 : i32
        %parallel_loop3A_321 = arith.constant 0 : i32
        %parallel_loop3A_322 = arith.cmpi sgt, %parallel_loop3A_312, %parallel_loop3A_321 : i32
        %parallel_loop3A_323 = arith.extui %parallel_loop3A_322 : i1 to i32
        %parallel_loop3A_324 = arith.constant 0 : i32
        %parallel_loop3A_325 = arith.cmpi slt, %parallel_loop3A_312, %parallel_loop3A_324 : i32
        %parallel_loop3A_326 = arith.extui %parallel_loop3A_325 : i1 to i32
        %parallel_loop3A_327 = arith.subi %parallel_loop3A_323, %parallel_loop3A_326 : i32
        %parallel_loop3A_328 = arith.cmpi ne, %parallel_loop3A_320, %parallel_loop3A_327 : i32
        %parallel_loop3A_329 = arith.remsi %parallel_loop3A_311, %parallel_loop3A_312 : i32
        %parallel_loop3A_330 = arith.constant 0 : i32
        %parallel_loop3A_331 = arith.cmpi ne, %parallel_loop3A_329, %parallel_loop3A_330 : i32
        %parallel_loop3A_332 = arith.andi %parallel_loop3A_328, %parallel_loop3A_331 : i1
        %parallel_loop3A_333 = arith.constant 1 : i32
        %parallel_loop3A_334 = arith.subi %parallel_loop3A_313, %parallel_loop3A_333 : i32
        %parallel_loop3A_335 = arith.select %parallel_loop3A_332, %parallel_loop3A_334, %parallel_loop3A_313 : i32
        %parallel_loop3A_336 = arith.constant 64 : i32
        %parallel_loop3A_337 = arith.constant 0 : i32
        %parallel_loop3A_338 = arith.cmpi eq, %parallel_loop3A_336, %parallel_loop3A_337 : i32
        %parallel_loop3A_339 = arith.constant 1 : i32
        %parallel_loop3A_340 = arith.select %parallel_loop3A_338, %parallel_loop3A_339, %parallel_loop3A_336 : i32
        %parallel_loop3A_341 = arith.remsi %parallel_loop3A_311, %parallel_loop3A_340 : i32
        %parallel_loop3A_342 = arith.constant 0 : i32
        %parallel_loop3A_343 = arith.cmpi ne, %parallel_loop3A_341, %parallel_loop3A_342 : i32
        %parallel_loop3A_344 = arith.constant 0 : i32
        %parallel_loop3A_345 = arith.cmpi slt, %parallel_loop3A_341, %parallel_loop3A_344 : i32
        %parallel_loop3A_346 = arith.constant 0 : i32
        %parallel_loop3A_347 = arith.cmpi slt, %parallel_loop3A_340, %parallel_loop3A_346 : i32
        %parallel_loop3A_348 = arith.xori %parallel_loop3A_345, %parallel_loop3A_347 : i1
        %parallel_loop3A_349 = arith.andi %parallel_loop3A_348, %parallel_loop3A_343 : i1
        %parallel_loop3A_350 = arith.addi %parallel_loop3A_341, %parallel_loop3A_340 : i32
        %parallel_loop3A_351 = arith.select %parallel_loop3A_349, %parallel_loop3A_350, %parallel_loop3A_341 : i32
        %parallel_loop3A_352 = arith.constant 16 : i32
        %parallel_loop3A_353 = arith.muli %parallel_loop3A_351, %parallel_loop3A_352 : i32
        %parallel_loop3A_354 = arith.index_cast %parallel_loop3A_335 : i32 to index
        %parallel_loop3A_355 = arith.index_cast %parallel_loop3A_353 : i32 to index
        %parallel_loop3A_356 = tpu.vector_load %arg8[%parallel_loop3A_354, %parallel_loop3A_355] {strides = array<i32>} : memref<16x1024xf32, #tpu.memory_space<vmem>>, vector<1x16xf32>,
        %parallel_loop3A_357 = vector.shape_cast %parallel_loop3A_356 : vector<1x16xf32> to vector<16xf32>
        %parallel_loop3A_358 = arith.index_cast %parallel_loop3A_335 : i32 to index
        %parallel_loop3A_359 = arith.index_cast %parallel_loop3A_353 : i32 to index
        %parallel_loop3A_360 = tpu.vector_load %arg9[%parallel_loop3A_358, %parallel_loop3A_359] {strides = array<i32>} : memref<16x1024xf32, #tpu.memory_space<vmem>>, vector<1x16xf32>,
        %parallel_loop3A_361 = vector.shape_cast %parallel_loop3A_360 : vector<1x16xf32> to vector<16xf32>
        %parallel_loop3A_362 = arith.addf %parallel_loop3A_357, %parallel_loop3A_361 : vector<16xf32>
        %parallel_loop3A_363 = arith.index_cast %parallel_loop3A_335 : i32 to index
        %parallel_loop3A_364 = arith.index_cast %parallel_loop3A_353 : i32 to index
        %parallel_loop3A_365 = tpu.vector_load %arg6[%parallel_loop3A_363, %parallel_loop3A_364] {strides = array<i32>} : memref<16x1024xf32, #tpu.memory_space<vmem>>, vector<1x16xf32>,
        %parallel_loop3A_366 = vector.shape_cast %parallel_loop3A_365 : vector<1x16xf32> to vector<16xf32>
        %parallel_loop3A_367 = vector.shape_cast %parallel_loop3A_362 : vector<16xf32> to vector<1x16xf32>
        tpu.vector_store %arg6[%parallel_loop3A_363, %parallel_loop3A_364], %parallel_loop3A_367 {add = true, strides = array<i32>} : memref<16x1024xf32, #tpu.memory_space<vmem>>, vector<1x16xf32>,
      } {sc.loop_unroll_factor = 8 : i64, sc.parallel_access}
      %convert_element_type3A_178 = arith.extui %scan3A_73 : i1 to i32
      %cond3A_179 = arith.constant 0 : i32
      %cond3A_180 = arith.cmpi ne, %convert_element_type3A_178, %cond3A_179 : i32
      scf.if %cond3A_180 {
        %dma_start3A_311 = arith.constant 1 : i32
        %dma_start3A_312 = tpu.memref_slice %arg5[%dma_start3A_311, %add3A_95] : memref<8x512xi32, #tpu.memory_space<vmem>> -> memref<1x16xi32, #tpu.memory_space<vmem>>
        %dma_start3A_313 = tpu.memref_squeeze %dma_start3A_312 : memref<1x16xi32, #tpu.memory_space<vmem>> -> memref<16xi32, #tpu.memory_space<vmem>>
        %dma_start3A_314 = arith.constant 0 : i32
        %dma_start3A_315 = arith.constant 0 : i32
        %dma_start3A_316 = tpu.memref_slice %arg3[%dma_start3A_314, %dma_start3A_315] : memref<16384x1024xf32, #tpu.memory_space<hbm>> -> memref<16384x1024xf32, #tpu.memory_space<hbm>>
        tpu.enqueue_indirect_dma source(%dma_start3A_316 : memref<16384x1024xf32, #tpu.memory_space<hbm>>) target(%arg8 : memref<16x1024xf32, #tpu.memory_space<vmem>>) offsets(%dma_start3A_313 : memref<16xi32, #tpu.memory_space<vmem>>) semaphore(%arg14 : memref<!tpu.dma_semaphore, #tpu.memory_space<semaphore_mem>>)
        %dma_start3A_317 = arith.constant 2 : i32
        %dma_start3A_318 = tpu.memref_slice %arg5[%dma_start3A_317, %add3A_95] : memref<8x512xi32, #tpu.memory_space<vmem>> -> memref<1x16xi32, #tpu.memory_space<vmem>>
        %dma_start3A_319 = tpu.memref_squeeze %dma_start3A_318 : memref<1x16xi32, #tpu.memory_space<vmem>> -> memref<16xi32, #tpu.memory_space<vmem>>
        %dma_start3A_320 = arith.constant 0 : i32
        %dma_start3A_321 = arith.constant 0 : i32
        %dma_start3A_322 = tpu.memref_slice %arg3[%dma_start3A_320, %dma_start3A_321] : memref<16384x1024xf32, #tpu.memory_space<hbm>> -> memref<16384x1024xf32, #tpu.memory_space<hbm>>
        tpu.enqueue_indirect_dma source(%dma_start3A_322 : memref<16384x1024xf32, #tpu.memory_space<hbm>>) target(%arg9 : memref<16x1024xf32, #tpu.memory_space<vmem>>) offsets(%dma_start3A_319 : memref<16xi32, #tpu.memory_space<vmem>>) semaphore(%arg15 : memref<!tpu.dma_semaphore, #tpu.memory_space<semaphore_mem>>)
      } else {
      }
      %dma_wait3A_181 = arith.constant 0 : i32
      %dma_wait3A_182 = arith.constant 0 : i32
      %dma_wait3A_183 = tpu.memref_slice %arg5[%dma_wait3A_181, %dma_wait3A_182] : memref<8x512xi32, #tpu.memory_space<vmem>> -> memref<1x16xi32, #tpu.memory_space<vmem>>
      %dma_wait3A_184 = tpu.memref_squeeze %dma_wait3A_183 : memref<1x16xi32, #tpu.memory_space<vmem>> -> memref<16xi32, #tpu.memory_space<vmem>>
      %dma_wait3A_185 = arith.constant 0 : i32
      %dma_wait3A_186 = arith.constant 0 : i32
      %dma_wait3A_187 = tpu.memref_slice %arg3[%dma_wait3A_185, %dma_wait3A_186] : memref<16384x1024xf32, #tpu.memory_space<hbm>> -> memref<16384x1024xf32, #tpu.memory_space<hbm>>
      tpu.wait_indirect_dma semaphore(%arg16 : memref<!tpu.dma_semaphore, #tpu.memory_space<semaphore_mem>>) src(%dma_wait3A_187 : memref<16384x1024xf32, #tpu.memory_space<hbm>>) dst(%arg10 : memref<16x1024xf32, #tpu.memory_space<vmem>>)
      %parallel_loop3A_188 = arith.constant 0 : i32
      %parallel_loop3A_189 = arith.constant 1024 : i32
      %parallel_loop3A_190 = arith.constant 1 : i32
      scf.for %parallel_loop3A_311 = %parallel_loop3A_188 to %parallel_loop3A_189 step %parallel_loop3A_190  : i32 {
        %parallel_loop3A_312 = arith.constant 64 : i32
        %parallel_loop3A_313 = arith.divsi %parallel_loop3A_311, %parallel_loop3A_312 : i32
        %parallel_loop3A_314 = arith.constant 0 : i32
        %parallel_loop3A_315 = arith.cmpi sgt, %parallel_loop3A_311, %parallel_loop3A_314 : i32
        %parallel_loop3A_316 = arith.extui %parallel_loop3A_315 : i1 to i32
        %parallel_loop3A_317 = arith.constant 0 : i32
        %parallel_loop3A_318 = arith.cmpi slt, %parallel_loop3A_311, %parallel_loop3A_317 : i32
        %parallel_loop3A_319 = arith.extui %parallel_loop3A_318 : i1 to i32
        %parallel_loop3A_320 = arith.subi %parallel_loop3A_316, %parallel_loop3A_319 : i32
        %parallel_loop3A_321 = arith.constant 0 : i32
        %parallel_loop3A_322 = arith.cmpi sgt, %parallel_loop3A_312, %parallel_loop3A_321 : i32
        %parallel_loop3A_323 = arith.extui %parallel_loop3A_322 : i1 to i32
        %parallel_loop3A_324 = arith.constant 0 : i32
        %parallel_loop3A_325 = arith.cmpi slt, %parallel_loop3A_312, %parallel_loop3A_324 : i32
        %parallel_loop3A_326 = arith.extui %parallel_loop3A_325 : i1 to i32
        %parallel_loop3A_327 = arith.subi %parallel_loop3A_323, %parallel_loop3A_326 : i32
        %parallel_loop3A_328 = arith.cmpi ne, %parallel_loop3A_320, %parallel_loop3A_327 : i32
        %parallel_loop3A_329 = arith.remsi %parallel_loop3A_311, %parallel_loop3A_312 : i32
        %parallel_loop3A_330 = arith.constant 0 : i32
        %parallel_loop3A_331 = arith.cmpi ne, %parallel_loop3A_329, %parallel_loop3A_330 : i32
        %parallel_loop3A_332 = arith.andi %parallel_loop3A_328, %parallel_loop3A_331 : i1
        %parallel_loop3A_333 = arith.constant 1 : i32
        %parallel_loop3A_334 = arith.subi %parallel_loop3A_313, %parallel_loop3A_333 : i32
        %parallel_loop3A_335 = arith.select %parallel_loop3A_332, %parallel_loop3A_334, %parallel_loop3A_313 : i32
        %parallel_loop3A_336 = arith.constant 64 : i32
        %parallel_loop3A_337 = arith.constant 0 : i32
        %parallel_loop3A_338 = arith.cmpi eq, %parallel_loop3A_336, %parallel_loop3A_337 : i32
        %parallel_loop3A_339 = arith.constant 1 : i32
        %parallel_loop3A_340 = arith.select %parallel_loop3A_338, %parallel_loop3A_339, %parallel_loop3A_336 : i32
        %parallel_loop3A_341 = arith.remsi %parallel_loop3A_311, %parallel_loop3A_340 : i32
        %parallel_loop3A_342 = arith.constant 0 : i32
        %parallel_loop3A_343 = arith.cmpi ne, %parallel_loop3A_341, %parallel_loop3A_342 : i32
        %parallel_loop3A_344 = arith.constant 0 : i32
        %parallel_loop3A_345 = arith.cmpi slt, %parallel_loop3A_341, %parallel_loop3A_344 : i32
        %parallel_loop3A_346 = arith.constant 0 : i32
        %parallel_loop3A_347 = arith.cmpi slt, %parallel_loop3A_340, %parallel_loop3A_346 : i32
        %parallel_loop3A_348 = arith.xori %parallel_loop3A_345, %parallel_loop3A_347 : i1
        %parallel_loop3A_349 = arith.andi %parallel_loop3A_348, %parallel_loop3A_343 : i1
        %parallel_loop3A_350 = arith.addi %parallel_loop3A_341, %parallel_loop3A_340 : i32
        %parallel_loop3A_351 = arith.select %parallel_loop3A_349, %parallel_loop3A_350, %parallel_loop3A_341 : i32
        %parallel_loop3A_352 = arith.constant 16 : i32
        %parallel_loop3A_353 = arith.muli %parallel_loop3A_351, %parallel_loop3A_352 : i32
        %parallel_loop3A_354 = arith.index_cast %parallel_loop3A_335 : i32 to index
        %parallel_loop3A_355 = arith.index_cast %parallel_loop3A_353 : i32 to index
        %parallel_loop3A_356 = tpu.vector_load %arg10[%parallel_loop3A_354, %parallel_loop3A_355] {strides = array<i32>} : memref<16x1024xf32, #tpu.memory_space<vmem>>, vector<1x16xf32>,
        %parallel_loop3A_357 = vector.shape_cast %parallel_loop3A_356 : vector<1x16xf32> to vector<16xf32>
        %parallel_loop3A_358 = arith.index_cast %parallel_loop3A_335 : i32 to index
        %parallel_loop3A_359 = arith.index_cast %parallel_loop3A_353 : i32 to index
        %parallel_loop3A_360 = tpu.vector_load %arg6[%parallel_loop3A_358, %parallel_loop3A_359] {strides = array<i32>} : memref<16x1024xf32, #tpu.memory_space<vmem>>, vector<1x16xf32>,
        %parallel_loop3A_361 = vector.shape_cast %parallel_loop3A_360 : vector<1x16xf32> to vector<16xf32>
        %parallel_loop3A_362 = vector.shape_cast %parallel_loop3A_357 : vector<16xf32> to vector<1x16xf32>
        tpu.vector_store %arg6[%parallel_loop3A_358, %parallel_loop3A_359], %parallel_loop3A_362 {add = true, strides = array<i32>} : memref<16x1024xf32, #tpu.memory_space<vmem>>, vector<1x16xf32>,
      } {sc.loop_unroll_factor = 16 : i64, sc.parallel_access}
      %convert_element_type3A_191 = arith.extui %scan3A_73 : i1 to i32
      %cond3A_192 = arith.constant 0 : i32
      %cond3A_193 = arith.cmpi ne, %convert_element_type3A_191, %cond3A_192 : i32
      scf.if %cond3A_193 {
        %dma_start3A_311 = arith.constant 3 : i32
        %dma_start3A_312 = tpu.memref_slice %arg5[%dma_start3A_311, %add3A_95] : memref<8x512xi32, #tpu.memory_space<vmem>> -> memref<1x16xi32, #tpu.memory_space<vmem>>
        %dma_start3A_313 = tpu.memref_squeeze %dma_start3A_312 : memref<1x16xi32, #tpu.memory_space<vmem>> -> memref<16xi32, #tpu.memory_space<vmem>>
        %dma_start3A_314 = arith.constant 0 : i32
        %dma_start3A_315 = arith.constant 0 : i32
        %dma_start3A_316 = tpu.memref_slice %arg3[%dma_start3A_314, %dma_start3A_315] : memref<16384x1024xf32, #tpu.memory_space<hbm>> -> memref<16384x1024xf32, #tpu.memory_space<hbm>>
        tpu.enqueue_indirect_dma source(%dma_start3A_316 : memref<16384x1024xf32, #tpu.memory_space<hbm>>) target(%arg10 : memref<16x1024xf32, #tpu.memory_space<vmem>>) offsets(%dma_start3A_313 : memref<16xi32, #tpu.memory_space<vmem>>) semaphore(%arg16 : memref<!tpu.dma_semaphore, #tpu.memory_space<semaphore_mem>>)
      } else {
      }
      %add3A_194 = arith.addi %mul3A_34, %mul3A_92 : i32
      %dma_start3A_195 = arith.constant 0 : i32
      %dma_start3A_196 = tpu.memref_slice %arg4[%add3A_194, %dma_start3A_195] : memref<16384x1024xf32, #tpu.memory_space<hbm>> -> memref<16x1024xf32, #tpu.memory_space<hbm>>
      %dma_start3A_197 = arith.constant 0 : i32
      %dma_start3A_198 = tpu.memref_slice %arg4[%add3A_194, %dma_start3A_197] : memref<16384x1024xf32, #tpu.memory_space<hbm>> -> memref<16x1024xf32, #tpu.memory_space<hbm>>
      tpu.enqueue_dma source(%arg6 : memref<16x1024xf32, #tpu.memory_space<vmem>>) target(%dma_start3A_198 : memref<16x1024xf32, #tpu.memory_space<hbm>>) target_semaphore(%arg18 : memref<!tpu.dma_semaphore, #tpu.memory_space<semaphore_mem>>)
      %add3A_199 = arith.constant 16 : i32
      %add3A_200 = arith.addi %mul3A_92, %add3A_199 : i32
      %lt3A_201 = arith.constant 15 : i32
      %lt3A_202 = arith.cmpi slt, %add3A_88, %lt3A_201 : i32
      %add3A_203 = arith.constant 16 : i32
      %add3A_204 = arith.addi %add3A_200, %add3A_203 : i32
      %dma_wait3A_205 = arith.constant 0 : i32
      %dma_wait3A_206 = arith.constant 0 : i32
      %dma_wait3A_207 = tpu.memref_slice %arg5[%dma_wait3A_205, %dma_wait3A_206] : memref<8x512xi32, #tpu.memory_space<vmem>> -> memref<1x16xi32, #tpu.memory_space<vmem>>
      %dma_wait3A_208 = tpu.memref_squeeze %dma_wait3A_207 : memref<1x16xi32, #tpu.memory_space<vmem>> -> memref<16xi32, #tpu.memory_space<vmem>>
      %dma_wait3A_209 = arith.constant 0 : i32
      %dma_wait3A_210 = arith.constant 0 : i32
      %dma_wait3A_211 = tpu.memref_slice %arg3[%dma_wait3A_209, %dma_wait3A_210] : memref<16384x1024xf32, #tpu.memory_space<hbm>> -> memref<16384x1024xf32, #tpu.memory_space<hbm>>
      tpu.wait_indirect_dma semaphore(%arg13 : memref<!tpu.dma_semaphore, #tpu.memory_space<semaphore_mem>>) src(%dma_wait3A_211 : memref<16384x1024xf32, #tpu.memory_space<hbm>>) dst(%arg7 : memref<16x1024xf32, #tpu.memory_space<vmem>>)
      %dma_wait3A_212 = arith.constant 0 : i32
      %dma_wait3A_213 = arith.constant 0 : i32
      %dma_wait3A_214 = tpu.memref_slice %arg5[%dma_wait3A_212, %dma_wait3A_213] : memref<8x512xi32, #tpu.memory_space<vmem>> -> memref<1x16xi32, #tpu.memory_space<vmem>>
      %dma_wait3A_215 = tpu.memref_squeeze %dma_wait3A_214 : memref<1x16xi32, #tpu.memory_space<vmem>> -> memref<16xi32, #tpu.memory_space<vmem>>
      %dma_wait3A_216 = arith.constant 0 : i32
      %dma_wait3A_217 = arith.constant 0 : i32
      %dma_wait3A_218 = tpu.memref_slice %arg3[%dma_wait3A_216, %dma_wait3A_217] : memref<16384x1024xf32, #tpu.memory_space<hbm>> -> memref<16384x1024xf32, #tpu.memory_space<hbm>>
      tpu.wait_indirect_dma semaphore(%arg14 : memref<!tpu.dma_semaphore, #tpu.memory_space<semaphore_mem>>) src(%dma_wait3A_218 : memref<16384x1024xf32, #tpu.memory_space<hbm>>) dst(%arg8 : memref<16x1024xf32, #tpu.memory_space<vmem>>)
      %dma_wait3A_219 = arith.constant 0 : i32
      %dma_wait3A_220 = arith.constant 0 : i32
      %dma_wait3A_221 = tpu.memref_slice %arg5[%dma_wait3A_219, %dma_wait3A_220] : memref<8x512xi32, #tpu.memory_space<vmem>> -> memref<1x16xi32, #tpu.memory_space<vmem>>
      %dma_wait3A_222 = tpu.memref_squeeze %dma_wait3A_221 : memref<1x16xi32, #tpu.memory_space<vmem>> -> memref<16xi32, #tpu.memory_space<vmem>>
      %dma_wait3A_223 = arith.constant 0 : i32
      %dma_wait3A_224 = arith.constant 0 : i32
      %dma_wait3A_225 = tpu.memref_slice %arg3[%dma_wait3A_223, %dma_wait3A_224] : memref<16384x1024xf32, #tpu.memory_space<hbm>> -> memref<16384x1024xf32, #tpu.memory_space<hbm>>
      tpu.wait_indirect_dma semaphore(%arg15 : memref<!tpu.dma_semaphore, #tpu.memory_space<semaphore_mem>>) src(%dma_wait3A_225 : memref<16384x1024xf32, #tpu.memory_space<hbm>>) dst(%arg9 : memref<16x1024xf32, #tpu.memory_space<vmem>>)
      %parallel_loop3A_226 = arith.constant 0 : i32
      %parallel_loop3A_227 = arith.constant 1024 : i32
      %parallel_loop3A_228 = arith.constant 1 : i32
      scf.for %parallel_loop3A_311 = %parallel_loop3A_226 to %parallel_loop3A_227 step %parallel_loop3A_228  : i32 {
        %parallel_loop3A_312 = arith.constant 64 : i32
        %parallel_loop3A_313 = arith.divsi %parallel_loop3A_311, %parallel_loop3A_312 : i32
        %parallel_loop3A_314 = arith.constant 0 : i32
        %parallel_loop3A_315 = arith.cmpi sgt, %parallel_loop3A_311, %parallel_loop3A_314 : i32
        %parallel_loop3A_316 = arith.extui %parallel_loop3A_315 : i1 to i32
        %parallel_loop3A_317 = arith.constant 0 : i32
        %parallel_loop3A_318 = arith.cmpi slt, %parallel_loop3A_311, %parallel_loop3A_317 : i32
        %parallel_loop3A_319 = arith.extui %parallel_loop3A_318 : i1 to i32
        %parallel_loop3A_320 = arith.subi %parallel_loop3A_316, %parallel_loop3A_319 : i32
        %parallel_loop3A_321 = arith.constant 0 : i32
        %parallel_loop3A_322 = arith.cmpi sgt, %parallel_loop3A_312, %parallel_loop3A_321 : i32
        %parallel_loop3A_323 = arith.extui %parallel_loop3A_322 : i1 to i32
        %parallel_loop3A_324 = arith.constant 0 : i32
        %parallel_loop3A_325 = arith.cmpi slt, %parallel_loop3A_312, %parallel_loop3A_324 : i32
        %parallel_loop3A_326 = arith.extui %parallel_loop3A_325 : i1 to i32
        %parallel_loop3A_327 = arith.subi %parallel_loop3A_323, %parallel_loop3A_326 : i32
        %parallel_loop3A_328 = arith.cmpi ne, %parallel_loop3A_320, %parallel_loop3A_327 : i32
        %parallel_loop3A_329 = arith.remsi %parallel_loop3A_311, %parallel_loop3A_312 : i32
        %parallel_loop3A_330 = arith.constant 0 : i32
        %parallel_loop3A_331 = arith.cmpi ne, %parallel_loop3A_329, %parallel_loop3A_330 : i32
        %parallel_loop3A_332 = arith.andi %parallel_loop3A_328, %parallel_loop3A_331 : i1
        %parallel_loop3A_333 = arith.constant 1 : i32
        %parallel_loop3A_334 = arith.subi %parallel_loop3A_313, %parallel_loop3A_333 : i32
        %parallel_loop3A_335 = arith.select %parallel_loop3A_332, %parallel_loop3A_334, %parallel_loop3A_313 : i32
        %parallel_loop3A_336 = arith.constant 64 : i32
        %parallel_loop3A_337 = arith.constant 0 : i32
        %parallel_loop3A_338 = arith.cmpi eq, %parallel_loop3A_336, %parallel_loop3A_337 : i32
        %parallel_loop3A_339 = arith.constant 1 : i32
        %parallel_loop3A_340 = arith.select %parallel_loop3A_338, %parallel_loop3A_339, %parallel_loop3A_336 : i32
        %parallel_loop3A_341 = arith.remsi %parallel_loop3A_311, %parallel_loop3A_340 : i32
        %parallel_loop3A_342 = arith.constant 0 : i32
        %parallel_loop3A_343 = arith.cmpi ne, %parallel_loop3A_341, %parallel_loop3A_342 : i32
        %parallel_loop3A_344 = arith.constant 0 : i32
        %parallel_loop3A_345 = arith.cmpi slt, %parallel_loop3A_341, %parallel_loop3A_344 : i32
        %parallel_loop3A_346 = arith.constant 0 : i32
        %parallel_loop3A_347 = arith.cmpi slt, %parallel_loop3A_340, %parallel_loop3A_346 : i32
        %parallel_loop3A_348 = arith.xori %parallel_loop3A_345, %parallel_loop3A_347 : i1
        %parallel_loop3A_349 = arith.andi %parallel_loop3A_348, %parallel_loop3A_343 : i1
        %parallel_loop3A_350 = arith.addi %parallel_loop3A_341, %parallel_loop3A_340 : i32
        %parallel_loop3A_351 = arith.select %parallel_loop3A_349, %parallel_loop3A_350, %parallel_loop3A_341 : i32
        %parallel_loop3A_352 = arith.constant 16 : i32
        %parallel_loop3A_353 = arith.muli %parallel_loop3A_351, %parallel_loop3A_352 : i32
        %parallel_loop3A_354 = arith.index_cast %parallel_loop3A_335 : i32 to index
        %parallel_loop3A_355 = arith.index_cast %parallel_loop3A_353 : i32 to index
        %parallel_loop3A_356 = tpu.vector_load %arg8[%parallel_loop3A_354, %parallel_loop3A_355] {strides = array<i32>} : memref<16x1024xf32, #tpu.memory_space<vmem>>, vector<1x16xf32>,
        %parallel_loop3A_357 = vector.shape_cast %parallel_loop3A_356 : vector<1x16xf32> to vector<16xf32>
        %parallel_loop3A_358 = arith.index_cast %parallel_loop3A_335 : i32 to index
        %parallel_loop3A_359 = arith.index_cast %parallel_loop3A_353 : i32 to index
        %parallel_loop3A_360 = tpu.vector_load %arg9[%parallel_loop3A_358, %parallel_loop3A_359] {strides = array<i32>} : memref<16x1024xf32, #tpu.memory_space<vmem>>, vector<1x16xf32>,
        %parallel_loop3A_361 = vector.shape_cast %parallel_loop3A_360 : vector<1x16xf32> to vector<16xf32>
        %parallel_loop3A_362 = arith.addf %parallel_loop3A_357, %parallel_loop3A_361 : vector<16xf32>
        %parallel_loop3A_363 = arith.index_cast %parallel_loop3A_335 : i32 to index
        %parallel_loop3A_364 = arith.index_cast %parallel_loop3A_353 : i32 to index
        %parallel_loop3A_365 = tpu.vector_load %arg7[%parallel_loop3A_363, %parallel_loop3A_364] {strides = array<i32>} : memref<16x1024xf32, #tpu.memory_space<vmem>>, vector<1x16xf32>,
        %parallel_loop3A_366 = vector.shape_cast %parallel_loop3A_365 : vector<1x16xf32> to vector<16xf32>
        %parallel_loop3A_367 = vector.shape_cast %parallel_loop3A_362 : vector<16xf32> to vector<1x16xf32>
        tpu.vector_store %arg7[%parallel_loop3A_363, %parallel_loop3A_364], %parallel_loop3A_367 {add = true, strides = array<i32>} : memref<16x1024xf32, #tpu.memory_space<vmem>>, vector<1x16xf32>,
      } {sc.loop_unroll_factor = 8 : i64, sc.parallel_access}
      %dma_start3A_229 = arith.constant 5 : i32
      %dma_start3A_230 = tpu.memref_slice %arg5[%dma_start3A_229, %add3A_200] : memref<8x512xi32, #tpu.memory_space<vmem>> -> memref<1x16xi32, #tpu.memory_space<vmem>>
      %dma_start3A_231 = tpu.memref_squeeze %dma_start3A_230 : memref<1x16xi32, #tpu.memory_space<vmem>> -> memref<16xi32, #tpu.memory_space<vmem>>
      %dma_start3A_232 = arith.constant 0 : i32
      %dma_start3A_233 = arith.constant 0 : i32
      %dma_start3A_234 = tpu.memref_slice %arg3[%dma_start3A_232, %dma_start3A_233] : memref<16384x1024xf32, #tpu.memory_space<hbm>> -> memref<16384x1024xf32, #tpu.memory_space<hbm>>
      tpu.enqueue_indirect_dma source(%dma_start3A_234 : memref<16384x1024xf32, #tpu.memory_space<hbm>>) target(%arg8 : memref<16x1024xf32, #tpu.memory_space<vmem>>) offsets(%dma_start3A_231 : memref<16xi32, #tpu.memory_space<vmem>>) semaphore(%arg14 : memref<!tpu.dma_semaphore, #tpu.memory_space<semaphore_mem>>)
      %dma_start3A_235 = arith.constant 6 : i32
      %dma_start3A_236 = tpu.memref_slice %arg5[%dma_start3A_235, %add3A_200] : memref<8x512xi32, #tpu.memory_space<vmem>> -> memref<1x16xi32, #tpu.memory_space<vmem>>
      %dma_start3A_237 = tpu.memref_squeeze %dma_start3A_236 : memref<1x16xi32, #tpu.memory_space<vmem>> -> memref<16xi32, #tpu.memory_space<vmem>>
      %dma_start3A_238 = arith.constant 0 : i32
      %dma_start3A_239 = arith.constant 0 : i32
      %dma_start3A_240 = tpu.memref_slice %arg3[%dma_start3A_238, %dma_start3A_239] : memref<16384x1024xf32, #tpu.memory_space<hbm>> -> memref<16384x1024xf32, #tpu.memory_space<hbm>>
      tpu.enqueue_indirect_dma source(%dma_start3A_240 : memref<16384x1024xf32, #tpu.memory_space<hbm>>) target(%arg9 : memref<16x1024xf32, #tpu.memory_space<vmem>>) offsets(%dma_start3A_237 : memref<16xi32, #tpu.memory_space<vmem>>) semaphore(%arg15 : memref<!tpu.dma_semaphore, #tpu.memory_space<semaphore_mem>>)
      %convert_element_type3A_241 = arith.extui %scan3A_73 : i1 to i32
      %cond3A_242 = arith.constant 0 : i32
      %cond3A_243 = arith.cmpi ne, %convert_element_type3A_241, %cond3A_242 : i32
      scf.if %cond3A_243 {
        %dma_wait3A_311 = arith.constant 0 : i32
        %dma_wait3A_312 = arith.constant 0 : i32
        %dma_wait3A_313 = tpu.memref_slice %arg4[%dma_wait3A_311, %dma_wait3A_312] : memref<16384x1024xf32, #tpu.memory_space<hbm>> -> memref<16x1024xf32, #tpu.memory_space<hbm>>
        %dma_wait3A_314 = arith.constant 0 : i32
        %dma_wait3A_315 = arith.constant 0 : i32
        %dma_wait3A_316 = tpu.memref_slice %arg4[%dma_wait3A_314, %dma_wait3A_315] : memref<16384x1024xf32, #tpu.memory_space<hbm>> -> memref<16x1024xf32, #tpu.memory_space<hbm>>
        tpu.wait_dma2 semaphore(%arg18 : memref<!tpu.dma_semaphore, #tpu.memory_space<semaphore_mem>>) src(%arg6 : memref<16x1024xf32, #tpu.memory_space<vmem>>) dst(%dma_wait3A_316 : memref<16x1024xf32, #tpu.memory_space<hbm>>)
      } else {
      }
      %convert_element_type3A_244 = arith.extui %lt3A_202 : i1 to i32
      %cond3A_245 = arith.constant 0 : i32
      %cond3A_246 = arith.cmpi ne, %convert_element_type3A_244, %cond3A_245 : i32
      scf.if %cond3A_246 {
        %dma_start3A_311 = arith.constant 0 : i32
        %dma_start3A_312 = tpu.memref_slice %arg5[%dma_start3A_311, %add3A_204] : memref<8x512xi32, #tpu.memory_space<vmem>> -> memref<1x16xi32, #tpu.memory_space<vmem>>
        %dma_start3A_313 = tpu.memref_squeeze %dma_start3A_312 : memref<1x16xi32, #tpu.memory_space<vmem>> -> memref<16xi32, #tpu.memory_space<vmem>>
        %dma_start3A_314 = arith.constant 0 : i32
        %dma_start3A_315 = arith.constant 0 : i32
        %dma_start3A_316 = tpu.memref_slice %arg3[%dma_start3A_314, %dma_start3A_315] : memref<16384x1024xf32, #tpu.memory_space<hbm>> -> memref<16384x1024xf32, #tpu.memory_space<hbm>>
        tpu.enqueue_indirect_dma source(%dma_start3A_316 : memref<16384x1024xf32, #tpu.memory_space<hbm>>) target(%arg6 : memref<16x1024xf32, #tpu.memory_space<vmem>>) offsets(%dma_start3A_313 : memref<16xi32, #tpu.memory_space<vmem>>) semaphore(%arg12 : memref<!tpu.dma_semaphore, #tpu.memory_space<semaphore_mem>>)
      } else {
      }
      %dma_wait3A_247 = arith.constant 0 : i32
      %dma_wait3A_248 = arith.constant 0 : i32
      %dma_wait3A_249 = tpu.memref_slice %arg5[%dma_wait3A_247, %dma_wait3A_248] : memref<8x512xi32, #tpu.memory_space<vmem>> -> memref<1x16xi32, #tpu.memory_space<vmem>>
      %dma_wait3A_250 = tpu.memref_squeeze %dma_wait3A_249 : memref<1x16xi32, #tpu.memory_space<vmem>> -> memref<16xi32, #tpu.memory_space<vmem>>
      %dma_wait3A_251 = arith.constant 0 : i32
      %dma_wait3A_252 = arith.constant 0 : i32
      %dma_wait3A_253 = tpu.memref_slice %arg3[%dma_wait3A_251, %dma_wait3A_252] : memref<16384x1024xf32, #tpu.memory_space<hbm>> -> memref<16384x1024xf32, #tpu.memory_space<hbm>>
      tpu.wait_indirect_dma semaphore(%arg16 : memref<!tpu.dma_semaphore, #tpu.memory_space<semaphore_mem>>) src(%dma_wait3A_253 : memref<16384x1024xf32, #tpu.memory_space<hbm>>) dst(%arg10 : memref<16x1024xf32, #tpu.memory_space<vmem>>)
      %dma_wait3A_254 = arith.constant 0 : i32
      %dma_wait3A_255 = arith.constant 0 : i32
      %dma_wait3A_256 = tpu.memref_slice %arg5[%dma_wait3A_254, %dma_wait3A_255] : memref<8x512xi32, #tpu.memory_space<vmem>> -> memref<1x16xi32, #tpu.memory_space<vmem>>
      %dma_wait3A_257 = tpu.memref_squeeze %dma_wait3A_256 : memref<1x16xi32, #tpu.memory_space<vmem>> -> memref<16xi32, #tpu.memory_space<vmem>>
      %dma_wait3A_258 = arith.constant 0 : i32
      %dma_wait3A_259 = arith.constant 0 : i32
      %dma_wait3A_260 = tpu.memref_slice %arg3[%dma_wait3A_258, %dma_wait3A_259] : memref<16384x1024xf32, #tpu.memory_space<hbm>> -> memref<16384x1024xf32, #tpu.memory_space<hbm>>
      tpu.wait_indirect_dma semaphore(%arg17 : memref<!tpu.dma_semaphore, #tpu.memory_space<semaphore_mem>>) src(%dma_wait3A_260 : memref<16384x1024xf32, #tpu.memory_space<hbm>>) dst(%arg11 : memref<16x1024xf32, #tpu.memory_space<vmem>>)
      %parallel_loop3A_261 = arith.constant 0 : i32
      %parallel_loop3A_262 = arith.constant 1024 : i32
      %parallel_loop3A_263 = arith.constant 1 : i32
      scf.for %parallel_loop3A_311 = %parallel_loop3A_261 to %parallel_loop3A_262 step %parallel_loop3A_263  : i32 {
        %parallel_loop3A_312 = arith.constant 64 : i32
        %parallel_loop3A_313 = arith.divsi %parallel_loop3A_311, %parallel_loop3A_312 : i32
        %parallel_loop3A_314 = arith.constant 0 : i32
        %parallel_loop3A_315 = arith.cmpi sgt, %parallel_loop3A_311, %parallel_loop3A_314 : i32
        %parallel_loop3A_316 = arith.extui %parallel_loop3A_315 : i1 to i32
        %parallel_loop3A_317 = arith.constant 0 : i32
        %parallel_loop3A_318 = arith.cmpi slt, %parallel_loop3A_311, %parallel_loop3A_317 : i32
        %parallel_loop3A_319 = arith.extui %parallel_loop3A_318 : i1 to i32
        %parallel_loop3A_320 = arith.subi %parallel_loop3A_316, %parallel_loop3A_319 : i32
        %parallel_loop3A_321 = arith.constant 0 : i32
        %parallel_loop3A_322 = arith.cmpi sgt, %parallel_loop3A_312, %parallel_loop3A_321 : i32
        %parallel_loop3A_323 = arith.extui %parallel_loop3A_322 : i1 to i32
        %parallel_loop3A_324 = arith.constant 0 : i32
        %parallel_loop3A_325 = arith.cmpi slt, %parallel_loop3A_312, %parallel_loop3A_324 : i32
        %parallel_loop3A_326 = arith.extui %parallel_loop3A_325 : i1 to i32
        %parallel_loop3A_327 = arith.subi %parallel_loop3A_323, %parallel_loop3A_326 : i32
        %parallel_loop3A_328 = arith.cmpi ne, %parallel_loop3A_320, %parallel_loop3A_327 : i32
        %parallel_loop3A_329 = arith.remsi %parallel_loop3A_311, %parallel_loop3A_312 : i32
        %parallel_loop3A_330 = arith.constant 0 : i32
        %parallel_loop3A_331 = arith.cmpi ne, %parallel_loop3A_329, %parallel_loop3A_330 : i32
        %parallel_loop3A_332 = arith.andi %parallel_loop3A_328, %parallel_loop3A_331 : i1
        %parallel_loop3A_333 = arith.constant 1 : i32
        %parallel_loop3A_334 = arith.subi %parallel_loop3A_313, %parallel_loop3A_333 : i32
        %parallel_loop3A_335 = arith.select %parallel_loop3A_332, %parallel_loop3A_334, %parallel_loop3A_313 : i32
        %parallel_loop3A_336 = arith.constant 64 : i32
        %parallel_loop3A_337 = arith.constant 0 : i32
        %parallel_loop3A_338 = arith.cmpi eq, %parallel_loop3A_336, %parallel_loop3A_337 : i32
        %parallel_loop3A_339 = arith.constant 1 : i32
        %parallel_loop3A_340 = arith.select %parallel_loop3A_338, %parallel_loop3A_339, %parallel_loop3A_336 : i32
        %parallel_loop3A_341 = arith.remsi %parallel_loop3A_311, %parallel_loop3A_340 : i32
        %parallel_loop3A_342 = arith.constant 0 : i32
        %parallel_loop3A_343 = arith.cmpi ne, %parallel_loop3A_341, %parallel_loop3A_342 : i32
        %parallel_loop3A_344 = arith.constant 0 : i32
        %parallel_loop3A_345 = arith.cmpi slt, %parallel_loop3A_341, %parallel_loop3A_344 : i32
        %parallel_loop3A_346 = arith.constant 0 : i32
        %parallel_loop3A_347 = arith.cmpi slt, %parallel_loop3A_340, %parallel_loop3A_346 : i32
        %parallel_loop3A_348 = arith.xori %parallel_loop3A_345, %parallel_loop3A_347 : i1
        %parallel_loop3A_349 = arith.andi %parallel_loop3A_348, %parallel_loop3A_343 : i1
        %parallel_loop3A_350 = arith.addi %parallel_loop3A_341, %parallel_loop3A_340 : i32
        %parallel_loop3A_351 = arith.select %parallel_loop3A_349, %parallel_loop3A_350, %parallel_loop3A_341 : i32
        %parallel_loop3A_352 = arith.constant 16 : i32
        %parallel_loop3A_353 = arith.muli %parallel_loop3A_351, %parallel_loop3A_352 : i32
        %parallel_loop3A_354 = arith.index_cast %parallel_loop3A_335 : i32 to index
        %parallel_loop3A_355 = arith.index_cast %parallel_loop3A_353 : i32 to index
        %parallel_loop3A_356 = tpu.vector_load %arg10[%parallel_loop3A_354, %parallel_loop3A_355] {strides = array<i32>} : memref<16x1024xf32, #tpu.memory_space<vmem>>, vector<1x16xf32>,
        %parallel_loop3A_357 = vector.shape_cast %parallel_loop3A_356 : vector<1x16xf32> to vector<16xf32>
        %parallel_loop3A_358 = arith.index_cast %parallel_loop3A_335 : i32 to index
        %parallel_loop3A_359 = arith.index_cast %parallel_loop3A_353 : i32 to index
        %parallel_loop3A_360 = tpu.vector_load %arg11[%parallel_loop3A_358, %parallel_loop3A_359] {strides = array<i32>} : memref<16x1024xf32, #tpu.memory_space<vmem>>, vector<1x16xf32>,
        %parallel_loop3A_361 = vector.shape_cast %parallel_loop3A_360 : vector<1x16xf32> to vector<16xf32>
        %parallel_loop3A_362 = arith.addf %parallel_loop3A_357, %parallel_loop3A_361 : vector<16xf32>
        %parallel_loop3A_363 = arith.index_cast %parallel_loop3A_335 : i32 to index
        %parallel_loop3A_364 = arith.index_cast %parallel_loop3A_353 : i32 to index
        %parallel_loop3A_365 = tpu.vector_load %arg7[%parallel_loop3A_363, %parallel_loop3A_364] {strides = array<i32>} : memref<16x1024xf32, #tpu.memory_space<vmem>>, vector<1x16xf32>,
        %parallel_loop3A_366 = vector.shape_cast %parallel_loop3A_365 : vector<1x16xf32> to vector<16xf32>
        %parallel_loop3A_367 = vector.shape_cast %parallel_loop3A_362 : vector<16xf32> to vector<1x16xf32>
        tpu.vector_store %arg7[%parallel_loop3A_363, %parallel_loop3A_364], %parallel_loop3A_367 {add = true, strides = array<i32>} : memref<16x1024xf32, #tpu.memory_space<vmem>>, vector<1x16xf32>,
      } {sc.loop_unroll_factor = 8 : i64, sc.parallel_access}
      %dma_start3A_264 = arith.constant 7 : i32
      %dma_start3A_265 = tpu.memref_slice %arg5[%dma_start3A_264, %add3A_200] : memref<8x512xi32, #tpu.memory_space<vmem>> -> memref<1x16xi32, #tpu.memory_space<vmem>>
      %dma_start3A_266 = tpu.memref_squeeze %dma_start3A_265 : memref<1x16xi32, #tpu.memory_space<vmem>> -> memref<16xi32, #tpu.memory_space<vmem>>
      %dma_start3A_267 = arith.constant 0 : i32
      %dma_start3A_268 = arith.constant 0 : i32
      %dma_start3A_269 = tpu.memref_slice %arg3[%dma_start3A_267, %dma_start3A_268] : memref<16384x1024xf32, #tpu.memory_space<hbm>> -> memref<16384x1024xf32, #tpu.memory_space<hbm>>
      tpu.enqueue_indirect_dma source(%dma_start3A_269 : memref<16384x1024xf32, #tpu.memory_space<hbm>>) target(%arg10 : memref<16x1024xf32, #tpu.memory_space<vmem>>) offsets(%dma_start3A_266 : memref<16xi32, #tpu.memory_space<vmem>>) semaphore(%arg16 : memref<!tpu.dma_semaphore, #tpu.memory_space<semaphore_mem>>)
      %convert_element_type3A_270 = arith.extui %lt3A_202 : i1 to i32
      %cond3A_271 = arith.constant 0 : i32
      %cond3A_272 = arith.cmpi ne, %convert_element_type3A_270, %cond3A_271 : i32
      scf.if %cond3A_272 {
        %dma_start3A_311 = arith.constant 4 : i32
        %dma_start3A_312 = tpu.memref_slice %arg5[%dma_start3A_311, %add3A_204] : memref<8x512xi32, #tpu.memory_space<vmem>> -> memref<1x16xi32, #tpu.memory_space<vmem>>
        %dma_start3A_313 = tpu.memref_squeeze %dma_start3A_312 : memref<1x16xi32, #tpu.memory_space<vmem>> -> memref<16xi32, #tpu.memory_space<vmem>>
        %dma_start3A_314 = arith.constant 0 : i32
        %dma_start3A_315 = arith.constant 0 : i32
        %dma_start3A_316 = tpu.memref_slice %arg3[%dma_start3A_314, %dma_start3A_315] : memref<16384x1024xf32, #tpu.memory_space<hbm>> -> memref<16384x1024xf32, #tpu.memory_space<hbm>>
        tpu.enqueue_indirect_dma source(%dma_start3A_316 : memref<16384x1024xf32, #tpu.memory_space<hbm>>) target(%arg11 : memref<16x1024xf32, #tpu.memory_space<vmem>>) offsets(%dma_start3A_313 : memref<16xi32, #tpu.memory_space<vmem>>) semaphore(%arg17 : memref<!tpu.dma_semaphore, #tpu.memory_space<semaphore_mem>>)
      } else {
      }
      %dma_wait3A_273 = arith.constant 0 : i32
      %dma_wait3A_274 = arith.constant 0 : i32
      %dma_wait3A_275 = tpu.memref_slice %arg5[%dma_wait3A_273, %dma_wait3A_274] : memref<8x512xi32, #tpu.memory_space<vmem>> -> memref<1x16xi32, #tpu.memory_space<vmem>>
      %dma_wait3A_276 = tpu.memref_squeeze %dma_wait3A_275 : memref<1x16xi32, #tpu.memory_space<vmem>> -> memref<16xi32, #tpu.memory_space<vmem>>
      %dma_wait3A_277 = arith.constant 0 : i32
      %dma_wait3A_278 = arith.constant 0 : i32
      %dma_wait3A_279 = tpu.memref_slice %arg3[%dma_wait3A_277, %dma_wait3A_278] : memref<16384x1024xf32, #tpu.memory_space<hbm>> -> memref<16384x1024xf32, #tpu.memory_space<hbm>>
      tpu.wait_indirect_dma semaphore(%arg14 : memref<!tpu.dma_semaphore, #tpu.memory_space<semaphore_mem>>) src(%dma_wait3A_279 : memref<16384x1024xf32, #tpu.memory_space<hbm>>) dst(%arg8 : memref<16x1024xf32, #tpu.memory_space<vmem>>)
      %dma_wait3A_280 = arith.constant 0 : i32
      %dma_wait3A_281 = arith.constant 0 : i32
      %dma_wait3A_282 = tpu.memref_slice %arg5[%dma_wait3A_280, %dma_wait3A_281] : memref<8x512xi32, #tpu.memory_space<vmem>> -> memref<1x16xi32, #tpu.memory_space<vmem>>
      %dma_wait3A_283 = tpu.memref_squeeze %dma_wait3A_282 : memref<1x16xi32, #tpu.memory_space<vmem>> -> memref<16xi32, #tpu.memory_space<vmem>>
      %dma_wait3A_284 = arith.constant 0 : i32
      %dma_wait3A_285 = arith.constant 0 : i32
      %dma_wait3A_286 = tpu.memref_slice %arg3[%dma_wait3A_284, %dma_wait3A_285] : memref<16384x1024xf32, #tpu.memory_space<hbm>> -> memref<16384x1024xf32, #tpu.memory_space<hbm>>
      tpu.wait_indirect_dma semaphore(%arg15 : memref<!tpu.dma_semaphore, #tpu.memory_space<semaphore_mem>>) src(%dma_wait3A_286 : memref<16384x1024xf32, #tpu.memory_space<hbm>>) dst(%arg9 : memref<16x1024xf32, #tpu.memory_space<vmem>>)
      %parallel_loop3A_287 = arith.constant 0 : i32
      %parallel_loop3A_288 = arith.constant 1024 : i32
      %parallel_loop3A_289 = arith.constant 1 : i32
      scf.for %parallel_loop3A_311 = %parallel_loop3A_287 to %parallel_loop3A_288 step %parallel_loop3A_289  : i32 {
        %parallel_loop3A_312 = arith.constant 64 : i32
        %parallel_loop3A_313 = arith.divsi %parallel_loop3A_311, %parallel_loop3A_312 : i32
        %parallel_loop3A_314 = arith.constant 0 : i32
        %parallel_loop3A_315 = arith.cmpi sgt, %parallel_loop3A_311, %parallel_loop3A_314 : i32
        %parallel_loop3A_316 = arith.extui %parallel_loop3A_315 : i1 to i32
        %parallel_loop3A_317 = arith.constant 0 : i32
        %parallel_loop3A_318 = arith.cmpi slt, %parallel_loop3A_311, %parallel_loop3A_317 : i32
        %parallel_loop3A_319 = arith.extui %parallel_loop3A_318 : i1 to i32
        %parallel_loop3A_320 = arith.subi %parallel_loop3A_316, %parallel_loop3A_319 : i32
        %parallel_loop3A_321 = arith.constant 0 : i32
        %parallel_loop3A_322 = arith.cmpi sgt, %parallel_loop3A_312, %parallel_loop3A_321 : i32
        %parallel_loop3A_323 = arith.extui %parallel_loop3A_322 : i1 to i32
        %parallel_loop3A_324 = arith.constant 0 : i32
        %parallel_loop3A_325 = arith.cmpi slt, %parallel_loop3A_312, %parallel_loop3A_324 : i32
        %parallel_loop3A_326 = arith.extui %parallel_loop3A_325 : i1 to i32
        %parallel_loop3A_327 = arith.subi %parallel_loop3A_323, %parallel_loop3A_326 : i32
        %parallel_loop3A_328 = arith.cmpi ne, %parallel_loop3A_320, %parallel_loop3A_327 : i32
        %parallel_loop3A_329 = arith.remsi %parallel_loop3A_311, %parallel_loop3A_312 : i32
        %parallel_loop3A_330 = arith.constant 0 : i32
        %parallel_loop3A_331 = arith.cmpi ne, %parallel_loop3A_329, %parallel_loop3A_330 : i32
        %parallel_loop3A_332 = arith.andi %parallel_loop3A_328, %parallel_loop3A_331 : i1
        %parallel_loop3A_333 = arith.constant 1 : i32
        %parallel_loop3A_334 = arith.subi %parallel_loop3A_313, %parallel_loop3A_333 : i32
        %parallel_loop3A_335 = arith.select %parallel_loop3A_332, %parallel_loop3A_334, %parallel_loop3A_313 : i32
        %parallel_loop3A_336 = arith.constant 64 : i32
        %parallel_loop3A_337 = arith.constant 0 : i32
        %parallel_loop3A_338 = arith.cmpi eq, %parallel_loop3A_336, %parallel_loop3A_337 : i32
        %parallel_loop3A_339 = arith.constant 1 : i32
        %parallel_loop3A_340 = arith.select %parallel_loop3A_338, %parallel_loop3A_339, %parallel_loop3A_336 : i32
        %parallel_loop3A_341 = arith.remsi %parallel_loop3A_311, %parallel_loop3A_340 : i32
        %parallel_loop3A_342 = arith.constant 0 : i32
        %parallel_loop3A_343 = arith.cmpi ne, %parallel_loop3A_341, %parallel_loop3A_342 : i32
        %parallel_loop3A_344 = arith.constant 0 : i32
        %parallel_loop3A_345 = arith.cmpi slt, %parallel_loop3A_341, %parallel_loop3A_344 : i32
        %parallel_loop3A_346 = arith.constant 0 : i32
        %parallel_loop3A_347 = arith.cmpi slt, %parallel_loop3A_340, %parallel_loop3A_346 : i32
        %parallel_loop3A_348 = arith.xori %parallel_loop3A_345, %parallel_loop3A_347 : i1
        %parallel_loop3A_349 = arith.andi %parallel_loop3A_348, %parallel_loop3A_343 : i1
        %parallel_loop3A_350 = arith.addi %parallel_loop3A_341, %parallel_loop3A_340 : i32
        %parallel_loop3A_351 = arith.select %parallel_loop3A_349, %parallel_loop3A_350, %parallel_loop3A_341 : i32
        %parallel_loop3A_352 = arith.constant 16 : i32
        %parallel_loop3A_353 = arith.muli %parallel_loop3A_351, %parallel_loop3A_352 : i32
        %parallel_loop3A_354 = arith.index_cast %parallel_loop3A_335 : i32 to index
        %parallel_loop3A_355 = arith.index_cast %parallel_loop3A_353 : i32 to index
        %parallel_loop3A_356 = tpu.vector_load %arg8[%parallel_loop3A_354, %parallel_loop3A_355] {strides = array<i32>} : memref<16x1024xf32, #tpu.memory_space<vmem>>, vector<1x16xf32>,
        %parallel_loop3A_357 = vector.shape_cast %parallel_loop3A_356 : vector<1x16xf32> to vector<16xf32>
        %parallel_loop3A_358 = arith.index_cast %parallel_loop3A_335 : i32 to index
        %parallel_loop3A_359 = arith.index_cast %parallel_loop3A_353 : i32 to index
        %parallel_loop3A_360 = tpu.vector_load %arg9[%parallel_loop3A_358, %parallel_loop3A_359] {strides = array<i32>} : memref<16x1024xf32, #tpu.memory_space<vmem>>, vector<1x16xf32>,
        %parallel_loop3A_361 = vector.shape_cast %parallel_loop3A_360 : vector<1x16xf32> to vector<16xf32>
        %parallel_loop3A_362 = arith.addf %parallel_loop3A_357, %parallel_loop3A_361 : vector<16xf32>
        %parallel_loop3A_363 = arith.index_cast %parallel_loop3A_335 : i32 to index
        %parallel_loop3A_364 = arith.index_cast %parallel_loop3A_353 : i32 to index
        %parallel_loop3A_365 = tpu.vector_load %arg7[%parallel_loop3A_363, %parallel_loop3A_364] {strides = array<i32>} : memref<16x1024xf32, #tpu.memory_space<vmem>>, vector<1x16xf32>,
        %parallel_loop3A_366 = vector.shape_cast %parallel_loop3A_365 : vector<1x16xf32> to vector<16xf32>
        %parallel_loop3A_367 = vector.shape_cast %parallel_loop3A_362 : vector<16xf32> to vector<1x16xf32>
        tpu.vector_store %arg7[%parallel_loop3A_363, %parallel_loop3A_364], %parallel_loop3A_367 {add = true, strides = array<i32>} : memref<16x1024xf32, #tpu.memory_space<vmem>>, vector<1x16xf32>,
      } {sc.loop_unroll_factor = 8 : i64, sc.parallel_access}
      %convert_element_type3A_290 = arith.extui %lt3A_202 : i1 to i32
      %cond3A_291 = arith.constant 0 : i32
      %cond3A_292 = arith.cmpi ne, %convert_element_type3A_290, %cond3A_291 : i32
      scf.if %cond3A_292 {
        %dma_start3A_311 = arith.constant 1 : i32
        %dma_start3A_312 = tpu.memref_slice %arg5[%dma_start3A_311, %add3A_204] : memref<8x512xi32, #tpu.memory_space<vmem>> -> memref<1x16xi32, #tpu.memory_space<vmem>>
        %dma_start3A_313 = tpu.memref_squeeze %dma_start3A_312 : memref<1x16xi32, #tpu.memory_space<vmem>> -> memref<16xi32, #tpu.memory_space<vmem>>
        %dma_start3A_314 = arith.constant 0 : i32
        %dma_start3A_315 = arith.constant 0 : i32
        %dma_start3A_316 = tpu.memref_slice %arg3[%dma_start3A_314, %dma_start3A_315] : memref<16384x1024xf32, #tpu.memory_space<hbm>> -> memref<16384x1024xf32, #tpu.memory_space<hbm>>
        tpu.enqueue_indirect_dma source(%dma_start3A_316 : memref<16384x1024xf32, #tpu.memory_space<hbm>>) target(%arg8 : memref<16x1024xf32, #tpu.memory_space<vmem>>) offsets(%dma_start3A_313 : memref<16xi32, #tpu.memory_space<vmem>>) semaphore(%arg14 : memref<!tpu.dma_semaphore, #tpu.memory_space<semaphore_mem>>)
        %dma_start3A_317 = arith.constant 2 : i32
        %dma_start3A_318 = tpu.memref_slice %arg5[%dma_start3A_317, %add3A_204] : memref<8x512xi32, #tpu.memory_space<vmem>> -> memref<1x16xi32, #tpu.memory_space<vmem>>
        %dma_start3A_319 = tpu.memref_squeeze %dma_start3A_318 : memref<1x16xi32, #tpu.memory_space<vmem>> -> memref<16xi32, #tpu.memory_space<vmem>>
        %dma_start3A_320 = arith.constant 0 : i32
        %dma_start3A_321 = arith.constant 0 : i32
        %dma_start3A_322 = tpu.memref_slice %arg3[%dma_start3A_320, %dma_start3A_321] : memref<16384x1024xf32, #tpu.memory_space<hbm>> -> memref<16384x1024xf32, #tpu.memory_space<hbm>>
        tpu.enqueue_indirect_dma source(%dma_start3A_322 : memref<16384x1024xf32, #tpu.memory_space<hbm>>) target(%arg9 : memref<16x1024xf32, #tpu.memory_space<vmem>>) offsets(%dma_start3A_319 : memref<16xi32, #tpu.memory_space<vmem>>) semaphore(%arg15 : memref<!tpu.dma_semaphore, #tpu.memory_space<semaphore_mem>>)
      } else {
      }
      %dma_wait3A_293 = arith.constant 0 : i32
      %dma_wait3A_294 = arith.constant 0 : i32
      %dma_wait3A_295 = tpu.memref_slice %arg5[%dma_wait3A_293, %dma_wait3A_294] : memref<8x512xi32, #tpu.memory_space<vmem>> -> memref<1x16xi32, #tpu.memory_space<vmem>>
      %dma_wait3A_296 = tpu.memref_squeeze %dma_wait3A_295 : memref<1x16xi32, #tpu.memory_space<vmem>> -> memref<16xi32, #tpu.memory_space<vmem>>
      %dma_wait3A_297 = arith.constant 0 : i32
      %dma_wait3A_298 = arith.constant 0 : i32
      %dma_wait3A_299 = tpu.memref_slice %arg3[%dma_wait3A_297, %dma_wait3A_298] : memref<16384x1024xf32, #tpu.memory_space<hbm>> -> memref<16384x1024xf32, #tpu.memory_space<hbm>>
      tpu.wait_indirect_dma semaphore(%arg16 : memref<!tpu.dma_semaphore, #tpu.memory_space<semaphore_mem>>) src(%dma_wait3A_299 : memref<16384x1024xf32, #tpu.memory_space<hbm>>) dst(%arg10 : memref<16x1024xf32, #tpu.memory_space<vmem>>)
      %parallel_loop3A_300 = arith.constant 0 : i32
      %parallel_loop3A_301 = arith.constant 1024 : i32
      %parallel_loop3A_302 = arith.constant 1 : i32
      scf.for %parallel_loop3A_311 = %parallel_loop3A_300 to %parallel_loop3A_301 step %parallel_loop3A_302  : i32 {
        %parallel_loop3A_312 = arith.constant 64 : i32
        %parallel_loop3A_313 = arith.divsi %parallel_loop3A_311, %parallel_loop3A_312 : i32
        %parallel_loop3A_314 = arith.constant 0 : i32
        %parallel_loop3A_315 = arith.cmpi sgt, %parallel_loop3A_311, %parallel_loop3A_314 : i32
        %parallel_loop3A_316 = arith.extui %parallel_loop3A_315 : i1 to i32
        %parallel_loop3A_317 = arith.constant 0 : i32
        %parallel_loop3A_318 = arith.cmpi slt, %parallel_loop3A_311, %parallel_loop3A_317 : i32
        %parallel_loop3A_319 = arith.extui %parallel_loop3A_318 : i1 to i32
        %parallel_loop3A_320 = arith.subi %parallel_loop3A_316, %parallel_loop3A_319 : i32
        %parallel_loop3A_321 = arith.constant 0 : i32
        %parallel_loop3A_322 = arith.cmpi sgt, %parallel_loop3A_312, %parallel_loop3A_321 : i32
        %parallel_loop3A_323 = arith.extui %parallel_loop3A_322 : i1 to i32
        %parallel_loop3A_324 = arith.constant 0 : i32
        %parallel_loop3A_325 = arith.cmpi slt, %parallel_loop3A_312, %parallel_loop3A_324 : i32
        %parallel_loop3A_326 = arith.extui %parallel_loop3A_325 : i1 to i32
        %parallel_loop3A_327 = arith.subi %parallel_loop3A_323, %parallel_loop3A_326 : i32
        %parallel_loop3A_328 = arith.cmpi ne, %parallel_loop3A_320, %parallel_loop3A_327 : i32
        %parallel_loop3A_329 = arith.remsi %parallel_loop3A_311, %parallel_loop3A_312 : i32
        %parallel_loop3A_330 = arith.constant 0 : i32
        %parallel_loop3A_331 = arith.cmpi ne, %parallel_loop3A_329, %parallel_loop3A_330 : i32
        %parallel_loop3A_332 = arith.andi %parallel_loop3A_328, %parallel_loop3A_331 : i1
        %parallel_loop3A_333 = arith.constant 1 : i32
        %parallel_loop3A_334 = arith.subi %parallel_loop3A_313, %parallel_loop3A_333 : i32
        %parallel_loop3A_335 = arith.select %parallel_loop3A_332, %parallel_loop3A_334, %parallel_loop3A_313 : i32
        %parallel_loop3A_336 = arith.constant 64 : i32
        %parallel_loop3A_337 = arith.constant 0 : i32
        %parallel_loop3A_338 = arith.cmpi eq, %parallel_loop3A_336, %parallel_loop3A_337 : i32
        %parallel_loop3A_339 = arith.constant 1 : i32
        %parallel_loop3A_340 = arith.select %parallel_loop3A_338, %parallel_loop3A_339, %parallel_loop3A_336 : i32
        %parallel_loop3A_341 = arith.remsi %parallel_loop3A_311, %parallel_loop3A_340 : i32
        %parallel_loop3A_342 = arith.constant 0 : i32
        %parallel_loop3A_343 = arith.cmpi ne, %parallel_loop3A_341, %parallel_loop3A_342 : i32
        %parallel_loop3A_344 = arith.constant 0 : i32
        %parallel_loop3A_345 = arith.cmpi slt, %parallel_loop3A_341, %parallel_loop3A_344 : i32
        %parallel_loop3A_346 = arith.constant 0 : i32
        %parallel_loop3A_347 = arith.cmpi slt, %parallel_loop3A_340, %parallel_loop3A_346 : i32
        %parallel_loop3A_348 = arith.xori %parallel_loop3A_345, %parallel_loop3A_347 : i1
        %parallel_loop3A_349 = arith.andi %parallel_loop3A_348, %parallel_loop3A_343 : i1
        %parallel_loop3A_350 = arith.addi %parallel_loop3A_341, %parallel_loop3A_340 : i32
        %parallel_loop3A_351 = arith.select %parallel_loop3A_349, %parallel_loop3A_350, %parallel_loop3A_341 : i32
        %parallel_loop3A_352 = arith.constant 16 : i32
        %parallel_loop3A_353 = arith.muli %parallel_loop3A_351, %parallel_loop3A_352 : i32
        %parallel_loop3A_354 = arith.index_cast %parallel_loop3A_335 : i32 to index
        %parallel_loop3A_355 = arith.index_cast %parallel_loop3A_353 : i32 to index
        %parallel_loop3A_356 = tpu.vector_load %arg10[%parallel_loop3A_354, %parallel_loop3A_355] {strides = array<i32>} : memref<16x1024xf32, #tpu.memory_space<vmem>>, vector<1x16xf32>,
        %parallel_loop3A_357 = vector.shape_cast %parallel_loop3A_356 : vector<1x16xf32> to vector<16xf32>
        %parallel_loop3A_358 = arith.index_cast %parallel_loop3A_335 : i32 to index
        %parallel_loop3A_359 = arith.index_cast %parallel_loop3A_353 : i32 to index
        %parallel_loop3A_360 = tpu.vector_load %arg7[%parallel_loop3A_358, %parallel_loop3A_359] {strides = array<i32>} : memref<16x1024xf32, #tpu.memory_space<vmem>>, vector<1x16xf32>,
        %parallel_loop3A_361 = vector.shape_cast %parallel_loop3A_360 : vector<1x16xf32> to vector<16xf32>
        %parallel_loop3A_362 = vector.shape_cast %parallel_loop3A_357 : vector<16xf32> to vector<1x16xf32>
        tpu.vector_store %arg7[%parallel_loop3A_358, %parallel_loop3A_359], %parallel_loop3A_362 {add = true, strides = array<i32>} : memref<16x1024xf32, #tpu.memory_space<vmem>>, vector<1x16xf32>,
      } {sc.loop_unroll_factor = 16 : i64, sc.parallel_access}
      %convert_element_type3A_303 = arith.extui %lt3A_202 : i1 to i32
      %cond3A_304 = arith.constant 0 : i32
      %cond3A_305 = arith.cmpi ne, %convert_element_type3A_303, %cond3A_304 : i32
      scf.if %cond3A_305 {
        %dma_start3A_311 = arith.constant 3 : i32
        %dma_start3A_312 = tpu.memref_slice %arg5[%dma_start3A_311, %add3A_204] : memref<8x512xi32, #tpu.memory_space<vmem>> -> memref<1x16xi32, #tpu.memory_space<vmem>>
        %dma_start3A_313 = tpu.memref_squeeze %dma_start3A_312 : memref<1x16xi32, #tpu.memory_space<vmem>> -> memref<16xi32, #tpu.memory_space<vmem>>
        %dma_start3A_314 = arith.constant 0 : i32
        %dma_start3A_315 = arith.constant 0 : i32
        %dma_start3A_316 = tpu.memref_slice %arg3[%dma_start3A_314, %dma_start3A_315] : memref<16384x1024xf32, #tpu.memory_space<hbm>> -> memref<16384x1024xf32, #tpu.memory_space<hbm>>
        tpu.enqueue_indirect_dma source(%dma_start3A_316 : memref<16384x1024xf32, #tpu.memory_space<hbm>>) target(%arg10 : memref<16x1024xf32, #tpu.memory_space<vmem>>) offsets(%dma_start3A_313 : memref<16xi32, #tpu.memory_space<vmem>>) semaphore(%arg16 : memref<!tpu.dma_semaphore, #tpu.memory_space<semaphore_mem>>)
      } else {
      }
      %add3A_306 = arith.addi %mul3A_34, %add3A_200 : i32
      %dma_start3A_307 = arith.constant 0 : i32
      %dma_start3A_308 = tpu.memref_slice %arg4[%add3A_306, %dma_start3A_307] : memref<16384x1024xf32, #tpu.memory_space<hbm>> -> memref<16x1024xf32, #tpu.memory_space<hbm>>
      %dma_start3A_309 = arith.constant 0 : i32
      %dma_start3A_310 = tpu.memref_slice %arg4[%add3A_306, %dma_start3A_309] : memref<16384x1024xf32, #tpu.memory_space<hbm>> -> memref<16x1024xf32, #tpu.memory_space<hbm>>
      tpu.enqueue_dma source(%arg7 : memref<16x1024xf32, #tpu.memory_space<vmem>>) target(%dma_start3A_310 : memref<16x1024xf32, #tpu.memory_space<hbm>>) target_semaphore(%arg19 : memref<!tpu.dma_semaphore, #tpu.memory_space<semaphore_mem>>)
    }
    %scan3A_78 = arith.constant 16 : i32
    %dma_wait3A = arith.constant 0 : i32
    %dma_wait3A_79 = arith.constant 0 : i32
    %dma_wait3A_80 = tpu.memref_slice %arg4[%dma_wait3A, %dma_wait3A_79] : memref<16384x1024xf32, #tpu.memory_space<hbm>> -> memref<16x1024xf32, #tpu.memory_space<hbm>>
    %dma_wait3A_81 = arith.constant 0 : i32
    %dma_wait3A_82 = arith.constant 0 : i32
    %dma_wait3A_83 = tpu.memref_slice %arg4[%dma_wait3A_81, %dma_wait3A_82] : memref<16384x1024xf32, #tpu.memory_space<hbm>> -> memref<16x1024xf32, #tpu.memory_space<hbm>>
    tpu.wait_dma2 semaphore(%arg19 : memref<!tpu.dma_semaphore, #tpu.memory_space<semaphore_mem>>) src(%arg7 : memref<16x1024xf32, #tpu.memory_space<vmem>>) dst(%dma_wait3A_83 : memref<16x1024xf32, #tpu.memory_space<hbm>>)
    return
  }
}

</mosaic_0001>

<sc_bundles>
// kernel: _run.3.cloned.1.call-start
scs
__scs_entry_jumppad:
0x0: {  	(pc) =	sbr.rel $0x88, $3  }
0x1: {  	(tag) =	ssettag $0x0;
	lr =	simm.s32 $0x1  }
0x2: {  	[smem:$0x3F9F] =	sst lr;
	_ =	strace $0xD0000000  }
0x3: {  	_ = 	snop  }
0x4: {  	_ = 	snop  }
0x5: {  	_ = 	snop  }
0x6: {  	_ = 	snop  }
0x7: {  	_ = 	snop  }
__scs_overlays_trampoline_lowered:
0x8: {  	[smem:$0x3FAE] =	sst s0  }
0x9: {  	[smem:$0x3FAF] =	sst s1  }
0xa: {  	[smem:$0x3FB0] =	sst s2  }
0xb: {  	[smem:$0x3FB1] =	sst s3  }
0xc: {  	[smem:$0x3FB2] =	sst s4  }
0xd: {  	[smem:$0x3FB3] =	sst s5  }
0xe: {  	[smem:$0x3FB4] =	sst s6  }
0xf: {  	[smem:$0x3FB5] =	sst s7  }
0x10: {  	[smem:$0x3FB6] =	sst s8  }
0x11: {  	[smem:$0x3FB7] =	sst s9;
	s0 =	simm.s32 @!p0 $0x0  }
0x12: {  	s1 =	sld [smem:$0x3F9D];
	s0 =	simm.s32 @p0 $0x1  }
0x13: {  	[smem:$0x3FB8] =	sst s0;
	s0 =	simm.s32 @!p1 $0x0  }
0x14: {  	s2 =	sld [smem:$0x3F9C];
	s0 =	simm.s32 @p1 $0x1  }
0x15: {  	[smem:$0x3FB9] =	sst s0;
	s0 =	simm.s32 @!p2 $0x0  }
0x16: {  	s3 =	sld [smem:$0x3FDB];
	s0 =	simm.s32 @p2 $0x1  }
0x17: {  	s4 =	simm.s32 $0x1BF5;
	[smem:$0x3FBB] =	sst s0  }
0x18: {  	s0 =	sld [smem:$0x3F9E];
	_ =	swait.ge [sflag:s4], $0x0  }
0x19: {  	s7 =	sld [smem:$0x3F9F]  }
0x1a: {  	s8 =	sadd.s32 $0xFFFFE003, lr  }
0x1b: {  	s9 =	sadd.s32 $0xFFFFFEF7, lr;
	s5 =	simm.s32 $0xFFFFFFFF;
	p2 =	slt.u32 s8, $0xFFFFF086  }
0x1c: {  	p1 =	slt.u32 s9, $0xF7A;
	s5 =	simm.s32 @!p2 $0x0  }
0x1d: {  	s5 =	simm.s32 @p1 $0x1;
	p0 =	seq.s32 s7, s2  }
0x1e: {  	s7 =	smul.u32 @!p0 $0xF7A, s2;
	p2 =	seq.s32 @!p0 s5, $0x0  }
0x1f: {  	s9 =	smul.u32 $0xF7A, s1;
	s8 =	simm.s32 @!p0 $0x1BF5;
	p2 =	por !p2, p0  }
0x20: {  	[sflag:s8] =	ssyncset.s32 @!p0 $0xFFFFF086;
	s6 =	sadd.s32 @!p0 s3, s7;
	s7 =	simm.s32 @!p0 $0x108  }
0x21: {  	s3 =	sadd.s32 s3, s9;
	s6 =	sadd.s32 @!p0 $0x88, s6;
	s7 =	simm.s32 @p2 $0x1082  }
0x22: {  	[simem:s7], [sflag:s8] =	dma.local @!p0 [hbm:s6], $0xF7A  }
0x23: {  	s9 =	sor.u32 $0xD0000000, s2;
	s6 =	simm.s32 $0x108;
	_ =	swait.ge @!p0 [sflag:s8], $0x0  }
0x24: {  	s3 =	sadd.s32 $0x88, s3;
	s6 =	simm.s32 @!p1 $0x1082;
	[sflag:s4] =	ssyncset.s32 $0xFFFFF086  }
0x25: {  	[simem:s6], [sflag:s4] =	dma.local [hbm:s3], $0xF7A  }
0x26: {  	[smem:$0x3F9F] =	sst s1;
	(tag) =	ssettag s2;
	_ =	strace s9  }
0x27: {  	s1 =	sld [smem:$0x3FAF]  }
0x28: {  	s2 =	sld [smem:$0x3FB0]  }
0x29: {  	s4 =	sld [smem:$0x3FB2]  }
0x2a: {  	p0 =	seq.s32 s5, $0x0;
	s5 =	sld [smem:$0x3FB3]  }
0x2b: {  	s6 =	sld [smem:$0x3FB4]  }
0x2c: {  	s7 =	sld [smem:$0x3FB5]  }
0x2d: {  	s3 =	simm.s32 $0x108;
	s8 =	sld [smem:$0x3FB6]  }
0x2e: {  	s3 =	simm.s32 @!p0 $0x1082;
	s9 =	sld [smem:$0x3FB7]  }
0x2f: {  	lr =	sadd.s32 s0, s3;
	s0 =	sld [smem:$0x3FAE]  }
0x30: {  	s3 =	sld [smem:$0x3FB1]  }
0x31: {  	[smem:$0x3FBA] =	sst s10  }
0x32: {  	s10 =	sld [smem:$0x3FB8];
	_ =	sdelay $0x3  }
0x33: {  	p0 =	seq.s32 s10, $0x1;
	s10 =	sld [smem:$0x3FBA];
	_ =	sdelay $0x3  }
0x34: {  	[smem:$0x3FBA] =	sst s10  }
0x35: {  	s10 =	sld [smem:$0x3FB9];
	_ =	sdelay $0x3  }
0x36: {  	p1 =	seq.s32 s10, $0x1;
	s10 =	sld [smem:$0x3FBA];
	_ =	sdelay $0x3  }
0x37: {  	[smem:$0x3FBA] =	sst s10  }
0x38: {  	s10 =	sld [smem:$0x3FBB]  }
0x39: {  	_ = 	snop;
	(pc) =	sbr.ind lr, $3  }
0x3a: {  	_ = 	snop  }
0x3b: {  	_ = 	snop  }
0x3c: {  	p2 =	seq.s32 s10, $0x1;
	s10 =	sld [smem:$0x3FBA]  }
0x3d: {  	_ =	shalt  }
0x3e: {  	_ =	shalt  }
0x3f: {  	_ =	shalt  }
0x40: {  	_ =	shalt  }
0x41: {  	_ =	shalt  }
0x42: {  	_ =	shalt  }
0x43: {  	_ =	shalt  }
0x44: {  	_ =	shalt  }
0x45: {  	_ =	shalt  }
0x46: {  	_ =	shalt  }
0x47: {  	_ =	shalt  }
0x48: {  	_ =	shalt  }
0x49: {  	_ =	shalt  }
0x4a: {  	_ =	shalt  }
0x4b: {  	_ =	shalt  }
0x4c: {  	_ =	shalt  }
0x4d: {  	_ =	shalt  }
0x4e: {  	_ =	shalt  }
0x4f: {  	_ =	shalt  }
0x50: {  	_ =	shalt  }
0x51: {  	_ =	shalt  }
0x52: {  	_ =	shalt  }
0x53: {  	_ =	shalt  }
0x54: {  	_ =	shalt  }
0x55: {  	_ =	shalt  }
0x56: {  	_ =	shalt  }
0x57: {  	_ =	shalt  }
0x58: {  	_ =	shalt  }
0x59: {  	_ =	shalt  }
0x5a: {  	_ =	shalt  }
0x5b: {  	_ =	shalt  }
0x5c: {  	_ =	shalt  }
0x5d: {  	_ =	shalt  }
0x5e: {  	_ =	shalt  }
0x5f: {  	_ =	shalt  }
0x60: {  	_ =	shalt  }
0x61: {  	_ =	shalt  }
0x62: {  	_ =	shalt  }
0x63: {  	_ =	shalt  }
0x64: {  	_ =	shalt  }
0x65: {  	_ =	shalt  }
0x66: {  	_ =	shalt  }
0x67: {  	_ =	shalt  }
0x68: {  	_ =	shalt  }
0x69: {  	_ =	shalt  }
0x6a: {  	_ =	shalt  }
0x6b: {  	_ =	shalt  }
0x6c: {  	_ =	shalt  }
0x6d: {  	_ =	shalt  }
0x6e: {  	_ =	shalt  }
0x6f: {  	_ =	shalt  }
0x70: {  	_ =	shalt  }
0x71: {  	_ =	shalt  }
0x72: {  	_ =	shalt  }
0x73: {  	_ =	shalt  }
0x74: {  	_ =	shalt  }
0x75: {  	_ =	shalt  }
0x76: {  	_ =	shalt  }
0x77: {  	_ =	shalt  }
0x78: {  	_ =	shalt  }
0x79: {  	_ =	shalt  }
0x7a: {  	_ =	shalt  }
0x7b: {  	_ =	shalt  }
0x7c: {  	_ =	shalt  }
0x7d: {  	_ =	shalt  }
0x7e: {  	_ =	shalt  }
0x7f: {  	_ =	shalt  }
0x80: {  	_ =	shalt  }
0x81: {  	_ =	shalt  }
0x82: {  	_ =	shalt  }
0x83: {  	_ =	shalt  }
0x84: {  	_ =	shalt  }
0x85: {  	_ =	shalt  }
0x86: {  	_ =	shalt  }
0x87: {  	_ =	shalt  }
.Lfunc_end0:
.L_simem_size_0:
called_computation_lowered:
.L_overlay_start_0:
0x88: {  	s2 =	sld [smem:$0x3FD9]  }
0x89: {  	s3 =	sld [smem:$0x3FFE];
	_ =	sdelay $0x1  }
0x8a: {  	s1 =	srdreg.scid  }
0x8b: {  	s0 =	sand.u32 $0x1, s1  }
0x8c: {  	s18 =	sshll.u32 s0, $0xA;
	s2 =	sadd.s32 s3, s2  }
0x8d: {  	s2 =	sadd.s32 s2, s18  }
0x8e: {  	[smem:$0x3FC6] =	sst s2  }
0x8f: {  	_ = 	snop  }
0x90: {  	s2 =	sld [smem:$0x3FC9]  }
0x91: {  	s19 =	sld [smem:$0x3FC8]  }
0x92: {  	s4 =	sld [smem:$0x3FD0];
	(tm) =	ssettm $0x1  }
0x93: {  	s5 =	sld [smem:$0x3FFB];
	_ =	sdelay $0x3  }
0x94: {  	_ =	strace s5  }
0x95: {  	s5 =	sld [smem:$0x3FFC];
	_ =	sdelay $0x3  }
0x96: {  	_ =	strace s5  }
0x97: {  	s5 =	sld [smem:$0x3FFD];
	_ =	sdelay $0x3  }
0x98: {  	_ =	strace s5  }
0x99: {  	_ =	strace $0x8FFFFFFF  }
0x9a: {  	s20 =	sld [smem:$0x3FDB];
	_ =	sdelay $0x1  }
0x9b: {  	s6 =	simm.s32 $_scs_section_size  }
0x9c: {  	s7 =	simm.s32 $_size__tile_overlayer_lowered;
	s8 =	simm.s32 $_tile_overlayer_lowered  }
0x9d: {  	s23 =	simm.s32 $0x1BFF;
	s22 =	sshll.u32 s8, $0x1;
	s5 =	sadd.s32 s6, s20  }
0x9e: {  	s9 =	simm.s32 $0x0;
	s21 =	sshll.u32 s7, $0x1;
	s7 =	sadd.s32 s22, s5  }
0x9f: {  	[timem:s9], [sflag:s23] =	dma.local [hbm:s7], s21  }
0xa0: {  	_ =	swait.ge [sflag:s23], s21  }
0xa1: {  	s6 =	ssub.s32 $0x0, s21;
	[sflag:s23] =	ssyncset.done $0x0  }
0xa2: {  	[sflag:s23] =	ssyncadd.s32 s6;
	_ =	sdelay $0x1  }
0xa3: {  	s24 =	simm.s32 $0x1B8B  }
0xa4: {  	_ =	swait.ge [sflag:s24], $0x1  }
0xa5: {  	[sflag:s24] =	ssyncset.done $0x0  }
0xa6: {  	s25 =	simm.s32 $0x1B8E;
	[sflag:s24] =	ssyncadd.s32 $0xFFFFFFFF  }
0xa7: {  	s26 =	simm.s32 $execute0_lowered;
	[smem:$0x3FD2] =	sst s25  }
0xa8: {  	s6 =	sshll.u32 s26, $0x1;
	_ =	strace $0x80000046;
	[dreg:$0x1] =	wrdreg $0xFFFFFFFF  }
0xa9: {  	s28 =	simm.s32 $_size_execute0_lowered;
	s5 =	sadd.s32 s5, s6;
	[dreg:$0x0] =	wrdreg $0x0  }
0xaa: {  	s6 =	sshll.u32 s28, $0x1;
	[dreg:$0x2] =	wrdreg s5  }
0xab: {  	[dreg:$0x3] =	wrdreg s6  }
0xac: {  	[dreg:$0x4] =	wrdreg $0xC0  }
0xad: {  	_ =	task [dreg:s9], $0x5FFFF  }
0xae: {  	[dreg:$0x1] =	wrdreg $0xFFFFFFFF  }
0xaf: {  	[dreg:$0x0] =	wrdreg $0x60  }
0xb0: {  	[dreg:$0x2] =	wrdreg s2  }
0xb1: {  	[dreg:$0x3] =	wrdreg s19  }
0xb2: {  	[dreg:$0x4] =	wrdreg s4  }
0xb3: {  	[dreg:$0x5] =	wrdreg $0x9  }
0xb4: {  	_ =	task.clear_ibuf [dreg:s9], $0x6FFFF;
	_ =	strace $0x90000046  }
0xb5: {  	s29 =	simm.s32 $0x9;
	_ =	strace $0x80000048  }
0xb6: {  	_ =	swait.ge [sflag:s29], $0x1  }
0xb7: {  	[sflag:s29] =	ssyncadd.s32 $0xFFFFFFFF  }
0xb8: {  	_ =	strace $0x90000048  }
0xb9: {  	_ =	sfence  }
0xba: {  	s30 =	sld [smem:$0x0];
	_ =	sdelay $0x2  }
0xbb: {  	s31 =	sshll.u32 s1, $0xD;
	s1 =	sshrl.u32 s1, $0x2  }
0xbc: {  	s3 =	sand.u32 $0x4000, s31;
	s1 =	sadd.s32 s1, s30  }
0xbd: {  	s0 =	sor.u32 s3, s0;
	s1 =	sshll.u32 s1, $0x11  }
0xbe: {  	s0 =	sor.u32 s1, s0  }
0xbf: {  	s0 =	sadd.s32 $0x8F2B, s0  }
0xc0: {  	[sflag:s0] =	ssyncadd.remote.s32 $0x1  }
0xc1: {  	_ =	sfence.sel $0xFFFF  }
0xc2: {  	[dreg:$0x0] =	wrdreg $0xFFFFFFFF;
	(pc) =	sbr.abs _section_cstart, $3  }
0xc3: {  	[dreg:$0x1] =	wrdreg $0xFFFFFFFF  }
0xc4: {  	_ =	task.clear_ibuf [dreg:s9], $0x2FFFF;
	_ =	strace $0x9FFFFFFF  }
0xc5: {  	(tm) =	ssettm $0x7FFFFFFF  }
tec
execute0_lowered:
.L_overlay_start_1:
0x0: {  	(tag) =	ssettag $0x1  }
0x1: {  	s0 =	rddreg [dreg:$0x0]  }
0x2: {  	s1 =	rddreg [dreg:$0x1];
	s4 =	simm.s32 $0x0  }
0x3: {  	s2 =	srdreg.scid;
	s5 =	stileid.u32;
	s17 =	simm.s32 $0x11800  }
0x4: {  	s18 =	simm.s32 $0x12000;
	s19 =	simm.s32 $0x12800;
	s10 =	simm.s32 $0x13800  }
0x5: {  	s11 =	simm.s32 $0x14000;
	s12 =	simm.s32 $0x14800;
	s20 =	simm.s32 $0x3  }
0x6: {  	s21 =	simm.s32 $0x4;
	s15 =	simm.s32 $0x5000;
	s22 =	simm.s32 $0x5  }
0x7: {  	s23 =	simm.s32 $0x6;
	s24 =	simm.s32 $0x2;
	s25 =	simm.s32 $0x7  }
0x8: {  	[smem:$0x7FF] =	sst s4;
	s2 =	sand.u32 $0x1, s2;
	s6 =	sshll.u32 s5, $0xA  }
0x9: {  	s8 =	sadd.s32 $0x200, s1;
	s3 =	ssub.s32 $0x2, s2;
	s2 =	sshll.u32 s2, $0x9  }
0xa: {  	s9 =	sadd.s32 $0x300, s1;
	s29 =	sand.u32 $0x3000, s6;
	s5 =	sor.u32 s2, s6  }
0xb: {  	s7 =	sshrl.u32 s3, $0x1;
	s0 =	sadd.s32 s0, s29;
	s30 =	sand.u32 $0xE00, s5  }
0xc: {  	v2 =	vlaneseq.u32;
	_ =	strace $0x80000047;
	s3 =	ssub.s32 s3, s7;
	s0 =	sadd.s32 s30, s0  }
0xd: {  	vm0 =	vmmov $0xffff;
	v1 =	vshrl.u32 v2, $0x3;
	s6 =	simm.s32 $0x13000;
	s31 =	smax.u32 s3, $0x1;
	[dreg:$0x4] =	wrdreg s0  }
0xe: {  	v0 =	vand.u32 $0x7, v2;
	v2 =	vor.u32 $0x8, v2;
	v1 =	vmul.u32 $0x8, v1;
	s7 =	sadd.s32 $0x100, s1;
	s3 =	simm.s32 $0x0;
	[dreg:$0x5] =	wrdreg s31  }
.LBB2_1:
0xf: {  	[dreg:$0x6] =	wrdreg s3  }
0x10: {  	s0 =	rddreg [dreg:$0x4];
	s2 =	simm.s32 $0x9  }
0x11: {  	[tilespmem:s4], [sflag:$0x9] =	stream.linear.gather [hbm4b:s0+s4], $0x1000, $0x38;
	[tilespmem:$0x19000] =	vst v63  }
0x12: {  	_ =	swait.ge [sflag:s2], $0x1000  }
0x13: {  	s29 =	sand.u32 $0x70, s4;
	s30 =	sand.u32 $0xC00, s4;
	[sflag:s2] =	ssyncset.done $0x0  }
0x14: {  	s0 =	sor.u32 s29, s30;
	[sflag:s2] =	ssyncadd.s32 $0xFFFFF000  }
0x15: {  	v3 =	vld [tilespmem:s0+$0x300]  }
0x16: {  	v4 =	vld [tilespmem:s0+$0x180]  }
0x17: {  	v5 =	vld [tilespmem:s0+$0x200]  }
0x18: {  	v7 =	vld [tilespmem:s0+$0x100]  }
0x19: {  	v6 =	vld [tilespmem:s0+$0x280]  }
0x1a: {  	v8 =	vld [tilespmem:s0+$0x80];
	v3 =	vadd.s32 $0x3000, v3  }
0x1b: {  	v4 =	vadd.s32 $0x1800, v4;
	[tilespmem:s0+$0x300] =	vst v3  }
0x1c: {  	[tilespmem:s0+$0x180] =	vst v4;
	v3 =	vadd.s32 $0x2000, v5  }
0x1d: {  	v4 =	vadd.s32 $0x1000, v7;
	[tilespmem:s0+$0x200] =	vst v3  }
0x1e: {  	v3 =	vadd.s32 $0x2800, v6;
	[tilespmem:s0+$0x100] =	vst v4  }
0x1f: {  	s31 =	sor.u32 s4, s4;
	[tilespmem:s0+$0x280] =	vst v3;
	v3 =	vadd.s32 $0x800, v8  }
0x20: {  	s13 =	sor.u32 $0x380, s31;
	[tilespmem:s0+$0x80] =	vst v3  }
0x21: {  	s3 =	simm.s32 $0x0;
	s0 =	simm.s32 $0x10;
	v3 =	vld [tilespmem:s13+$0x0]  }
.LBB2_2:
0x22: {  	p0 =	sne.s32 s0, $0x1F0  }
0x23: {  	s3 =	sadd.s32 $0x80, s3;
	s14 =	smov.u32 s0;
	s0 =	sadd.s32 $0x10, s0  }
0x24: {  	_ =	sdelay $0x2  }
0x25: {  	s26 =	sand.u32 $0x70, s14;
	s28 =	sand.u32 $0xC00, s3;
	v3 =	vadd.s32 $0x3800, v3  }
0x26: {  	s26 =	sor.u32 s26, s28;
	[tilespmem:s13+$0x0] =	vst v3  }
0x27: {  	v3 =	vld [tilespmem:s26+$0x300]  }
0x28: {  	v4 =	vld [tilespmem:s26+$0x180]  }
0x29: {  	v5 =	vld [tilespmem:s26+$0x200]  }
0x2a: {  	v6 =	vld [tilespmem:s26+$0x280]  }
0x2b: {  	v7 =	vld [tilespmem:s26+$0x100]  }
0x2c: {  	v8 =	vld [tilespmem:s26+$0x80];
	v3 =	vadd.s32 $0x3000, v3  }
0x2d: {  	v4 =	vadd.s32 $0x1800, v4;
	[tilespmem:s26+$0x300] =	vst v3  }
0x2e: {  	[tilespmem:s26+$0x180] =	vst v4;
	v3 =	vadd.s32 $0x2000, v5  }
.Ltmp0:
0x2f: {  	[tilespmem:s26+$0x200] =	vst v3;
	v3 =	vadd.s32 $0x2800, v6;
	(pc) =	sbr.rel @p0 .LBB2_2-.Ltmp0, $4  }
0x30: {  	v4 =	vadd.s32 $0x1000, v7;
	[tilespmem:s26+$0x280] =	vst v3  }
0x31: {  	s13 =	sor.u32 s3, s14;
	v3 =	vadd.s32 $0x800, v8;
	[tilespmem:s26+$0x100] =	vst v4  }
0x32: {  	s13 =	sor.u32 $0x380, s13;
	[tilespmem:s26+$0x80] =	vst v3  }
0x33: {  	v3 =	vld [tilespmem:s13+$0x0]  }
0x34: {  	v4 =	vld [tilespmem:$0x0];
	_ =	sdelay $0x4  }
0x35: {  	v5 =	vshll.u32 v4, $0x3  }
0x36: {  	v4 =	vand.u32 $0x7, v4;
	v5 =	vand.u32 $0xFFFFFFC0, v5  }
0x37: {  	v4 =	vor.u32 v4, v5  }
0x38: {  	v5 =	vperm.xlane v4, v0;
	_ =	sdelay $0x1  }
0x39: {  	v5 =	vadd.s32 v1, v5;
	_ =	sdelay $0x2  }
0x3a: {  	v3 =	vadd.s32 $0x3800, v3  }
0x3b: {  	s2 =	simm.s32 $0x0;
	s0 =	simm.s32 $0x1000;
	[tilespmem:s13+$0x0] =	vst v3  }
0x3c: {  	[tilespmem:s0], [sflag:$0x1] =	stream.indirect_vreg.gather [hbm4b:s1+s2], $0x80, v5, vm0, $0xb8;
	[tilespmem:$0x19000] =	vst v63  }
0x3d: {  	s26 =	simm.s32 $0x1800;
	v3 =	vperm.xlane v4, v2  }
0x3e: {  	[tilespmem:s26], [sflag:$0x1] =	stream.indirect_vreg.gather [hbm4b:s7+s2], $0x80, v5, vm0, $0xb8;
	[tilespmem:$0x19000] =	vst v63  }
0x3f: {  	s28 =	simm.s32 $0x2000;
	v3 =	vadd.s32 v1, v3  }
0x40: {  	[tilespmem:s28], [sflag:$0x1] =	stream.indirect_vreg.gather [hbm4b:s8+s2], $0x80, v5, vm0, $0xb8;
	[tilespmem:$0x19000] =	vst v63  }
0x41: {  	s29 =	simm.s32 $0x2800  }
0x42: {  	[tilespmem:s29], [sflag:$0x1] =	stream.indirect_vreg.gather [hbm4b:s9+s2], $0x80, v5, vm0, $0xb8;
	[tilespmem:$0x19000] =	vst v63  }
0x43: {  	s30 =	simm.s32 $0x3000  }
0x44: {  	[tilespmem:s30], [sflag:$0x1] =	stream.indirect_vreg.gather [hbm4b:s1+s2], $0x80, v3, vm0, $0xb8;
	[tilespmem:$0x19000] =	vst v63  }
0x45: {  	s31 =	simm.s32 $0x3800  }
0x46: {  	[tilespmem:s31], [sflag:$0x1] =	stream.indirect_vreg.gather [hbm4b:s7+s2], $0x80, v3, vm0, $0xb8;
	[tilespmem:$0x19000] =	vst v63  }
0x47: {  	s3 =	simm.s32 $0x4000  }
0x48: {  	[tilespmem:s3], [sflag:$0x1] =	stream.indirect_vreg.gather [hbm4b:s8+s2], $0x80, v3, vm0, $0xb8;
	[tilespmem:$0x19000] =	vst v63  }
0x49: {  	s13 =	simm.s32 $0x4800  }
0x4a: {  	[tilespmem:s13], [sflag:$0x1] =	stream.indirect_vreg.gather [hbm4b:s9+s2], $0x80, v3, vm0, $0xb8;
	[tilespmem:$0x19000] =	vst v63  }
0x4b: {  	v3 =	vld [tilespmem:$0x80];
	_ =	sdelay $0x4  }
0x4c: {  	v60 =	vshll.u32 v3, $0x3  }
0x4d: {  	v3 =	vand.u32 $0x7, v3;
	v4 =	vand.u32 $0xFFFFFFC0, v60  }
0x4e: {  	v3 =	vor.u32 v3, v4  }
0x4f: {  	v4 =	vperm.xlane v3, v0;
	_ =	sdelay $0x1  }
0x50: {  	v4 =	vadd.s32 v1, v4;
	_ =	sdelay $0x3  }
0x51: {  	s14 =	simm.s32 $0x9000  }
0x52: {  	[tilespmem:s14], [sflag:$0x3] =	stream.indirect_vreg.gather [hbm4b:s1+s2], $0x80, v4, vm0, $0xb8;
	[tilespmem:$0x19000] =	vst v63  }
0x53: {  	s16 =	simm.s32 $0x9800;
	v3 =	vperm.xlane v3, v2  }
0x54: {  	[tilespmem:s16], [sflag:$0x3] =	stream.indirect_vreg.gather [hbm4b:s7+s2], $0x80, v4, vm0, $0xb8;
	[tilespmem:$0x19000] =	vst v63  }
0x55: {  	s26 =	simm.s32 $0xA000;
	v3 =	vadd.s32 v1, v3  }
0x56: {  	[tilespmem:s26], [sflag:$0x3] =	stream.indirect_vreg.gather [hbm4b:s8+s2], $0x80, v4, vm0, $0xb8;
	[tilespmem:$0x19000] =	vst v63  }
0x57: {  	s28 =	simm.s32 $0xA800  }
0x58: {  	[tilespmem:s28], [sflag:$0x3] =	stream.indirect_vreg.gather [hbm4b:s9+s2], $0x80, v4, vm0, $0xb8;
	[tilespmem:$0x19000] =	vst v63  }
0x59: {  	s29 =	simm.s32 $0xB000  }
0x5a: {  	[tilespmem:s29], [sflag:$0x3] =	stream.indirect_vreg.gather [hbm4b:s1+s2], $0x80, v3, vm0, $0xb8;
	[tilespmem:$0x19000] =	vst v63  }
0x5b: {  	s30 =	simm.s32 $0xB800  }
0x5c: {  	[tilespmem:s30], [sflag:$0x3] =	stream.indirect_vreg.gather [hbm4b:s7+s2], $0x80, v3, vm0, $0xb8;
	[tilespmem:$0x19000] =	vst v63  }
0x5d: {  	s31 =	simm.s32 $0xC000  }
0x5e: {  	[tilespmem:s31], [sflag:$0x3] =	stream.indirect_vreg.gather [hbm4b:s8+s2], $0x80, v3, vm0, $0xb8;
	[tilespmem:$0x19000] =	vst v63  }
0x5f: {  	s3 =	simm.s32 $0xC800  }
0x60: {  	[tilespmem:s3], [sflag:$0x3] =	stream.indirect_vreg.gather [hbm4b:s9+s2], $0x80, v3, vm0, $0xb8;
	[tilespmem:$0x19000] =	vst v63  }
0x61: {  	v3 =	vld [tilespmem:$0x100];
	_ =	sdelay $0x4  }
0x62: {  	v61 =	vshll.u32 v3, $0x3  }
0x63: {  	v3 =	vand.u32 $0x7, v3;
	v4 =	vand.u32 $0xFFFFFFC0, v61  }
0x64: {  	v3 =	vor.u32 v3, v4  }
0x65: {  	v4 =	vperm.xlane v3, v0;
	_ =	sdelay $0x1  }
0x66: {  	v4 =	vadd.s32 v1, v4;
	_ =	sdelay $0x3  }
0x67: {  	s13 =	simm.s32 $0xD000  }
0x68: {  	[tilespmem:s13], [sflag:$0x4] =	stream.indirect_vreg.gather [hbm4b:s1+s2], $0x80, v4, vm0, $0xb8;
	[tilespmem:$0x19000] =	vst v63  }
0x69: {  	s14 =	simm.s32 $0xD800;
	v3 =	vperm.xlane v3, v2  }
0x6a: {  	[tilespmem:s14], [sflag:$0x4] =	stream.indirect_vreg.gather [hbm4b:s7+s2], $0x80, v4, vm0, $0xb8;
	[tilespmem:$0x19000] =	vst v63  }
0x6b: {  	s16 =	simm.s32 $0xE000;
	v3 =	vadd.s32 v1, v3  }
0x6c: {  	[tilespmem:s16], [sflag:$0x4] =	stream.indirect_vreg.gather [hbm4b:s8+s2], $0x80, v4, vm0, $0xb8;
	[tilespmem:$0x19000] =	vst v63  }
0x6d: {  	s26 =	simm.s32 $0xE800  }
0x6e: {  	[tilespmem:s26], [sflag:$0x4] =	stream.indirect_vreg.gather [hbm4b:s9+s2], $0x80, v4, vm0, $0xb8;
	[tilespmem:$0x19000] =	vst v63  }
0x6f: {  	s28 =	simm.s32 $0xF000  }
0x70: {  	[tilespmem:s28], [sflag:$0x4] =	stream.indirect_vreg.gather [hbm4b:s1+s2], $0x80, v3, vm0, $0xb8;
	[tilespmem:$0x19000] =	vst v63  }
0x71: {  	s29 =	simm.s32 $0xF800  }
0x72: {  	[tilespmem:s29], [sflag:$0x4] =	stream.indirect_vreg.gather [hbm4b:s7+s2], $0x80, v3, vm0, $0xb8;
	[tilespmem:$0x19000] =	vst v63  }
0x73: {  	s30 =	simm.s32 $0x10000  }
0x74: {  	[tilespmem:s30], [sflag:$0x4] =	stream.indirect_vreg.gather [hbm4b:s8+s2], $0x80, v3, vm0, $0xb8;
	[tilespmem:$0x19000] =	vst v63  }
0x75: {  	s31 =	simm.s32 $0x10800  }
0x76: {  	[tilespmem:s31], [sflag:$0x4] =	stream.indirect_vreg.gather [hbm4b:s9+s2], $0x80, v3, vm0, $0xb8;
	[tilespmem:$0x19000] =	vst v63  }
0x77: {  	v3 =	vld [tilespmem:$0x180];
	_ =	sdelay $0x4  }
0x78: {  	v62 =	vshll.u32 v3, $0x3  }
0x79: {  	v3 =	vand.u32 $0x7, v3;
	v4 =	vand.u32 $0xFFFFFFC0, v62  }
0x7a: {  	v3 =	vor.u32 v3, v4  }
0x7b: {  	v4 =	vperm.xlane v3, v0;
	_ =	sdelay $0x1  }
0x7c: {  	v4 =	vadd.s32 v1, v4;
	_ =	sdelay $0x3  }
0x7d: {  	s3 =	simm.s32 $0x11000  }
0x7e: {  	[tilespmem:s3], [sflag:$0x5] =	stream.indirect_vreg.gather [hbm4b:s1+s2], $0x80, v4, vm0, $0xb8;
	[tilespmem:$0x19000] =	vst v63  }
0x7f: {  	v3 =	vperm.xlane v3, v2  }
0x80: {  	[tilespmem:s17], [sflag:$0x5] =	stream.indirect_vreg.gather [hbm4b:s7+s2], $0x80, v4, vm0, $0xb8;
	[tilespmem:$0x19000] =	vst v63  }
0x81: {  	v3 =	vadd.s32 v1, v3  }
0x82: {  	[tilespmem:s18], [sflag:$0x5] =	stream.indirect_vreg.gather [hbm4b:s8+s2], $0x80, v4, vm0, $0xb8;
	[tilespmem:$0x19000] =	vst v63  }
0x83: {  	_ = 	snop  }
0x84: {  	[tilespmem:s19], [sflag:$0x5] =	stream.indirect_vreg.gather [hbm4b:s9+s2], $0x80, v4, vm0, $0xb8;
	[tilespmem:$0x19000] =	vst v63  }
0x85: {  	_ = 	snop  }
0x86: {  	[tilespmem:s6], [sflag:$0x5] =	stream.indirect_vreg.gather [hbm4b:s1+s2], $0x80, v3, vm0, $0xb8;
	[tilespmem:$0x19000] =	vst v63  }
0x87: {  	_ = 	snop  }
0x88: {  	[tilespmem:s10], [sflag:$0x5] =	stream.indirect_vreg.gather [hbm4b:s7+s2], $0x80, v3, vm0, $0xb8;
	[tilespmem:$0x19000] =	vst v63  }
0x89: {  	_ = 	snop  }
0x8a: {  	[tilespmem:s11], [sflag:$0x5] =	stream.indirect_vreg.gather [hbm4b:s8+s2], $0x80, v3, vm0, $0xb8;
	[tilespmem:$0x19000] =	vst v63  }
0x8b: {  	_ = 	snop  }
0x8c: {  	[tilespmem:s12], [sflag:$0x5] =	stream.indirect_vreg.gather [hbm4b:s9+s2], $0x80, v3, vm0, $0xb8;
	[tilespmem:$0x19000] =	vst v63  }
0x8d: {  	v3 =	vld [tilespmem:$0x200];
	_ =	sdelay $0x4  }
0x8e: {  	v63 =	vshll.u32 v3, $0x3  }
0x8f: {  	v3 =	vand.u32 $0x7, v3;
	v4 =	vand.u32 $0xFFFFFFC0, v63  }
0x90: {  	v3 =	vor.u32 v3, v4  }
0x91: {  	v4 =	vperm.xlane v3, v0;
	_ =	sdelay $0x1  }
0x92: {  	v4 =	vadd.s32 v1, v4;
	_ =	sdelay $0x3  }
0x93: {  	s13 =	simm.s32 $0x15000  }
0x94: {  	[tilespmem:s13], [sflag:$0x6] =	stream.indirect_vreg.gather [hbm4b:s1+s2], $0x80, v4, vm0, $0xb8;
	[tilespmem:$0x19000] =	vst v63  }
0x95: {  	s14 =	simm.s32 $0x15800;
	v3 =	vperm.xlane v3, v2  }
0x96: {  	[tilespmem:s14], [sflag:$0x6] =	stream.indirect_vreg.gather [hbm4b:s7+s2], $0x80, v4, vm0, $0xb8;
	[tilespmem:$0x19000] =	vst v63  }
0x97: {  	s16 =	simm.s32 $0x16000;
	v3 =	vadd.s32 v1, v3  }
0x98: {  	[tilespmem:s16], [sflag:$0x6] =	stream.indirect_vreg.gather [hbm4b:s8+s2], $0x80, v4, vm0, $0xb8;
	[tilespmem:$0x19000] =	vst v63  }
0x99: {  	s26 =	simm.s32 $0x16800  }
0x9a: {  	[tilespmem:s26], [sflag:$0x6] =	stream.indirect_vreg.gather [hbm4b:s9+s2], $0x80, v4, vm0, $0xb8;
	[tilespmem:$0x19000] =	vst v63  }
0x9b: {  	s28 =	simm.s32 $0x17000  }
0x9c: {  	[tilespmem:s28], [sflag:$0x6] =	stream.indirect_vreg.gather [hbm4b:s1+s2], $0x80, v3, vm0, $0xb8;
	[tilespmem:$0x19000] =	vst v63  }
0x9d: {  	s29 =	simm.s32 $0x17800  }
0x9e: {  	[tilespmem:s29], [sflag:$0x6] =	stream.indirect_vreg.gather [hbm4b:s7+s2], $0x80, v3, vm0, $0xb8;
	[tilespmem:$0x19000] =	vst v63  }
0x9f: {  	s30 =	simm.s32 $0x18000  }
0xa0: {  	[tilespmem:s30], [sflag:$0x6] =	stream.indirect_vreg.gather [hbm4b:s8+s2], $0x80, v3, vm0, $0xb8;
	[tilespmem:$0x19000] =	vst v63  }
0xa1: {  	s31 =	simm.s32 $0x18800;
	s26 =	simm.s32 $0x0  }
0xa2: {  	[tilespmem:s31], [sflag:$0x6] =	stream.indirect_vreg.gather [hbm4b:s9+s2], $0x80, v3, vm0, $0xb8;
	[tilespmem:$0x19000] =	vst v63  }
.LBB2_4:
0xa3: {  	s0 =	simm.s32 $0x1  }
0xa4: {  	_ =	swait.ge [sflag:s0], $0x4000  }
0xa5: {  	[sflag:s0] =	ssyncset.done $0x0  }
0xa6: {  	[sflag:s0] =	ssyncadd.s32 $0xFFFFC000  }
0xa7: {  	_ =	swait.ge [sflag:s20], $0x4000  }
0xa8: {  	s30 =	simm.s32 $0x0;
	[sflag:s20] =	ssyncset.done $0x0  }
0xa9: {  	s2 =	simm.s32 $0x0;
	s13 =	simm.s32 $0x0;
	[sflag:s20] =	ssyncadd.s32 $0xFFFFC000  }
0xaa: {  	s3 =	sand.u32 $0x1C00, s2;
	s0 =	sand.u32 $0x2000, s30;
	_ =	swait.ge [sflag:s21], $0x4000  }
0xab: {  	s31 =	sand.u32 $0x380, s13;
	s0 =	sor.u32 s3, s0;
	[sflag:s21] =	ssyncset.done $0x0  }
0xac: {  	s0 =	sor.u32 s31, s0;
	[sflag:s21] =	ssyncadd.s32 $0xFFFFC000  }
0xad: {  	v3 =	vld [tilespmem:s0+$0x9070]  }
0xae: {  	v4 =	vld [tilespmem:s0+$0xD070]  }
0xaf: {  	v5 =	vld [tilespmem:s0+$0x9000]  }
0xb0: {  	v6 =	vld [tilespmem:s0+$0xD000]  }
0xb1: {  	v8 =	vld [tilespmem:s0+$0x9010]  }
0xb2: {  	v9 =	vld [tilespmem:s0+$0xD010]  }
0xb3: {  	v10 =	vld [tilespmem:s0+$0x9020]  }
0xb4: {  	v11 =	vld [tilespmem:s0+$0x9030]  }
0xb5: {  	v12 =	vld [tilespmem:s0+$0xD030]  }
0xb6: {  	v13 =	vld [tilespmem:s0+$0x9040]  }
0xb7: {  	v14 =	vld [tilespmem:s0+$0xD040]  }
0xb8: {  	v7 =	vld [tilespmem:s0+$0xD050];
	v3 =	vadd.f32 v4, v3  }
0xb9: {  	v4 =	vld [tilespmem:s0+$0xD020]  }
0xba: {  	[tilespmem:s0+$0x1070] =	vst.add.f32.msk $0xffff, v3;
	v3 =	vadd.f32 v6, v5  }
0xbb: {  	v5 =	vld [tilespmem:s0+$0x9050]  }
0xbc: {  	[tilespmem:s0+$0x1000] =	vst.add.f32.msk $0xffff, v3  }
0xbd: {  	v3 =	vld [tilespmem:s0+$0x9060]  }
0xbe: {  	v15 =	vadd.f32 v9, v8;
	v6 =	vadd.f32 v4, v10;
	v4 =	vld [tilespmem:s0+$0xD060];
	_ =	sdelay $0x1  }
0xbf: {  	s13 =	simm.s32 $0x0;
	s3 =	simm.s32 $0x0;
	v8 =	vadd.f32 v12, v11;
	v9 =	vadd.f32 v14, v13;
	[tilespmem:s0+$0x1010] =	vst.add.f32.msk $0xffff, v15  }
.LBB2_5:
0xc0: {  	s3 =	sadd.s32 $0x8, s3;
	[tilespmem:s0+$0x1020] =	vst.add.f32.msk $0xffff, v6;
	v5 =	vadd.f32 v7, v5  }
0xc1: {  	s13 =	sadd.s32 $0x400, s13;
	s14 =	sshll.u32 s3, $0x4;
	p0 =	slt.u32 s3, $0x3F8;
	[tilespmem:s0+$0x1030] =	vst.add.f32.msk $0xffff, v8  }
0xc2: {  	s28 =	sand.u32 $0x1C00, s13;
	s29 =	sshll.u32 s3, $0x1;
	s14 =	sand.u32 $0x2000, s14;
	[tilespmem:s0+$0x1040] =	vst.add.f32.msk $0xffff, v9;
	v3 =	vadd.f32 v4, v3  }
0xc3: {  	s14 =	sor.u32 s28, s14;
	s28 =	sand.u32 $0x380, s29;
	[tilespmem:s0+$0x1050] =	vst.add.f32.msk $0xffff, v5  }
0xc4: {  	[tilespmem:s0+$0x1060] =	vst.add.f32.msk $0xffff, v3;
	s0 =	sor.u32 s28, s14  }
0xc5: {  	v3 =	vld [tilespmem:s0+$0x9070]  }
0xc6: {  	v4 =	vld [tilespmem:s0+$0xD070]  }
0xc7: {  	v5 =	vld [tilespmem:s0+$0x9000]  }
0xc8: {  	v6 =	vld [tilespmem:s0+$0xD000]  }
0xc9: {  	v7 =	vld [tilespmem:s0+$0x9010]  }
0xca: {  	v8 =	vld [tilespmem:s0+$0xD010]  }
0xcb: {  	v9 =	vld [tilespmem:s0+$0x9020];
	v3 =	vadd.f32 v4, v3  }
0xcc: {  	v4 =	vld [tilespmem:s0+$0xD020]  }
0xcd: {  	v10 =	vadd.f32 v6, v5;
	[tilespmem:s0+$0x1070] =	vst.add.f32.msk $0xffff, v3  }
0xce: {  	v3 =	vld [tilespmem:s0+$0x9030]  }
0xcf: {  	v11 =	vadd.f32 v8, v7;
	v8 =	vld [tilespmem:s0+$0xD030]  }
0xd0: {  	v12 =	vld [tilespmem:s0+$0x9040]  }
0xd1: {  	v6 =	vadd.f32 v4, v9;
	v9 =	vld [tilespmem:s0+$0xD040]  }
0xd2: {  	v5 =	vld [tilespmem:s0+$0x9050]  }
.Ltmp1:
0xd3: {  	v7 =	vld [tilespmem:s0+$0xD050];
	(pc) =	sbr.rel @p0 .LBB2_5-.Ltmp1, $4  }
0xd4: {  	v8 =	vadd.f32 v8, v3;
	v3 =	vld [tilespmem:s0+$0x9060]  }
0xd5: {  	v4 =	vld [tilespmem:s0+$0xD060]  }
0xd6: {  	[tilespmem:s0+$0x1000] =	vst.add.f32.msk $0xffff, v10;
	v9 =	vadd.f32 v9, v12  }
0xd7: {  	[tilespmem:s0+$0x1010] =	vst.add.f32.msk $0xffff, v11  }
0xd8: {  	[tilespmem:s0+$0x1020] =	vst.add.f32.msk $0xffff, v6  }
0xd9: {  	v5 =	vadd.f32 v7, v5;
	[tilespmem:s0+$0x1030] =	vst.add.f32.msk $0xffff, v8  }
0xda: {  	[tilespmem:s0+$0x1040] =	vst.add.f32.msk $0xffff, v9;
	s30 =	sshll.u32 s26, $0x5;
	s29 =	sshll.u32 s26, $0x8;
	v3 =	vadd.f32 v4, v3  }
0xdb: {  	s3 =	sand.u32 $0x60, s30;
	s13 =	sand.u32 $0xC00, s29;
	[tilespmem:s0+$0x1050] =	vst.add.f32.msk $0xffff, v5  }
0xdc: {  	s14 =	sor.u32 s3, s13;
	[tilespmem:s0+$0x1060] =	vst.add.f32.msk $0xffff, v3  }
0xdd: {  	v3 =	vld [tilespmem:s14+$0x280];
	_ =	sdelay $0x4  }
0xde: {  	v4 =	vshll.u32 v3, $0x3  }
0xdf: {  	v3 =	vand.u32 $0x7, v3;
	v4 =	vand.u32 $0xFFFFFFC0, v4  }
0xe0: {  	v3 =	vor.u32 v3, v4  }
0xe1: {  	v4 =	vperm.xlane v3, v0;
	_ =	sdelay $0x1  }
0xe2: {  	v4 =	vadd.s32 v1, v4;
	_ =	sdelay $0x3  }
0xe3: {  	s16 =	simm.s32 $0x9000  }
0xe4: {  	[tilespmem:s16], [sflag:$0x3] =	stream.indirect_vreg.gather [hbm4b:s1+s4], $0x80, v4, vm0, $0xb8;
	[tilespmem:$0x19000] =	vst v63  }
0xe5: {  	s2 =	simm.s32 $0x9800;
	v3 =	vperm.xlane v3, v2  }
0xe6: {  	[tilespmem:s2], [sflag:$0x3] =	stream.indirect_vreg.gather [hbm4b:s7+s4], $0x80, v4, vm0, $0xb8;
	[tilespmem:$0x19000] =	vst v63  }
0xe7: {  	s14 =	simm.s32 $0xA000;
	v3 =	vadd.s32 v1, v3  }
0xe8: {  	[tilespmem:s14], [sflag:$0x3] =	stream.indirect_vreg.gather [hbm4b:s8+s4], $0x80, v4, vm0, $0xb8;
	[tilespmem:$0x19000] =	vst v63  }
0xe9: {  	s16 =	simm.s32 $0xA800  }
0xea: {  	[tilespmem:s16], [sflag:$0x3] =	stream.indirect_vreg.gather [hbm4b:s9+s4], $0x80, v4, vm0, $0xb8;
	[tilespmem:$0x19000] =	vst v63  }
0xeb: {  	s2 =	simm.s32 $0xB000  }
0xec: {  	[tilespmem:s2], [sflag:$0x3] =	stream.indirect_vreg.gather [hbm4b:s1+s4], $0x80, v3, vm0, $0xb8;
	[tilespmem:$0x19000] =	vst v63  }
0xed: {  	s14 =	simm.s32 $0xB800  }
0xee: {  	[tilespmem:s14], [sflag:$0x3] =	stream.indirect_vreg.gather [hbm4b:s7+s4], $0x80, v3, vm0, $0xb8;
	[tilespmem:$0x19000] =	vst v63  }
0xef: {  	s3 =	sor.u32 s3, s29;
	s16 =	simm.s32 $0xC000  }
0xf0: {  	[tilespmem:s16], [sflag:$0x3] =	stream.indirect_vreg.gather [hbm4b:s8+s4], $0x80, v3, vm0, $0xb8;
	[tilespmem:$0x19000] =	vst v63  }
0xf1: {  	s0 =	sor.u32 $0x300, s3;
	s2 =	simm.s32 $0xC800  }
0xf2: {  	[tilespmem:s2], [sflag:$0x3] =	stream.indirect_vreg.gather [hbm4b:s9+s4], $0x80, v3, vm0, $0xb8;
	[tilespmem:$0x19000] =	vst v63  }
0xf3: {  	v3 =	vld [tilespmem:s0+$0x0];
	_ =	sdelay $0x4  }
0xf4: {  	v4 =	vshll.u32 v3, $0x3  }
0xf5: {  	v3 =	vand.u32 $0x7, v3;
	v4 =	vand.u32 $0xFFFFFFC0, v4  }
0xf6: {  	v3 =	vor.u32 v3, v4  }
0xf7: {  	v4 =	vperm.xlane v3, v0;
	_ =	sdelay $0x1  }
0xf8: {  	v4 =	vadd.s32 v1, v4;
	_ =	sdelay $0x3  }
0xf9: {  	s14 =	simm.s32 $0xD000  }
0xfa: {  	[tilespmem:s14], [sflag:$0x4] =	stream.indirect_vreg.gather [hbm4b:s1+s4], $0x80, v4, vm0, $0xb8;
	[tilespmem:$0x19000] =	vst v63  }
0xfb: {  	s16 =	simm.s32 $0xD800;
	v3 =	vperm.xlane v3, v2  }
0xfc: {  	[tilespmem:s16], [sflag:$0x4] =	stream.indirect_vreg.gather [hbm4b:s7+s4], $0x80, v4, vm0, $0xb8;
	[tilespmem:$0x19000] =	vst v63  }
0xfd: {  	s2 =	simm.s32 $0xE000;
	v3 =	vadd.s32 v1, v3  }
0xfe: {  	[tilespmem:s2], [sflag:$0x4] =	stream.indirect_vreg.gather [hbm4b:s8+s4], $0x80, v4, vm0, $0xb8;
	[tilespmem:$0x19000] =	vst v63  }
0xff: {  	s3 =	simm.s32 $0xE800  }
0x100: {  	[tilespmem:s3], [sflag:$0x4] =	stream.indirect_vreg.gather [hbm4b:s9+s4], $0x80, v4, vm0, $0xb8;
	[tilespmem:$0x19000] =	vst v63  }
0x101: {  	s14 =	simm.s32 $0xF000  }
0x102: {  	[tilespmem:s14], [sflag:$0x4] =	stream.indirect_vreg.gather [hbm4b:s1+s4], $0x80, v3, vm0, $0xb8;
	[tilespmem:$0x19000] =	vst v63  }
0x103: {  	s16 =	simm.s32 $0xF800  }
0x104: {  	[tilespmem:s16], [sflag:$0x4] =	stream.indirect_vreg.gather [hbm4b:s7+s4], $0x80, v3, vm0, $0xb8;
	[tilespmem:$0x19000] =	vst v63  }
0x105: {  	p0 =	seq.s32 s26, $0x0;
	s2 =	simm.s32 $0x10000  }
0x106: {  	[tilespmem:s2], [sflag:$0x4] =	stream.indirect_vreg.gather [hbm4b:s8+s4], $0x80, v3, vm0, $0xb8;
	[tilespmem:$0x19000] =	vst v63  }
0x107: {  	s0 =	simm.s32 @!p0 $0x8;
	s3 =	simm.s32 $0x10800  }
0x108: {  	[tilespmem:s3], [sflag:$0x4] =	stream.indirect_vreg.gather [hbm4b:s9+s4], $0x80, v3, vm0, $0xb8;
	[tilespmem:$0x19000] =	vst v63  }
0x109: {  	s28 =	sor.u32 $0x10, s30;
	_ =	swait.ge @!p0 [sflag:s0], $0x4000  }
0x10a: {  	s31 =	sand.u32 $0x70, s28;
	[sflag:s0] =	ssyncset.done @!p0 $0x0  }
0x10b: {  	[sflag:s0] =	ssyncadd.s32 @!p0 $0xFFFFC000;
	s0 =	sadd.s32 s31, s13  }
0x10c: {  	v3 =	vld [tilespmem:s0+$0x0];
	_ =	sdelay $0x4  }
0x10d: {  	v4 =	vshll.u32 v3, $0x3  }
0x10e: {  	v3 =	vand.u32 $0x7, v3;
	v4 =	vand.u32 $0xFFFFFFC0, v4  }
0x10f: {  	v3 =	vor.u32 v3, v4  }
0x110: {  	v4 =	vperm.xlane v3, v0;
	_ =	sdelay $0x1  }
0x111: {  	v4 =	vadd.s32 v1, v4;
	_ =	sdelay $0x3  }
0x112: {  	s3 =	simm.s32 $0x0  }
0x113: {  	[tilespmem:s15], [sflag:$0x2] =	stream.indirect_vreg.gather [hbm4b:s1+s3], $0x80, v4, vm0, $0xb8;
	[tilespmem:$0x19000] =	vst v63  }
0x114: {  	s2 =	simm.s32 $0x5800;
	v3 =	vperm.xlane v3, v2  }
0x115: {  	[tilespmem:s2], [sflag:$0x2] =	stream.indirect_vreg.gather [hbm4b:s7+s3], $0x80, v4, vm0, $0xb8;
	[tilespmem:$0x19000] =	vst v63  }
0x116: {  	s14 =	simm.s32 $0x6000;
	v3 =	vadd.s32 v1, v3  }
0x117: {  	[tilespmem:s14], [sflag:$0x2] =	stream.indirect_vreg.gather [hbm4b:s8+s3], $0x80, v4, vm0, $0xb8;
	[tilespmem:$0x19000] =	vst v63  }
0x118: {  	s15 =	simm.s32 $0x6800  }
0x119: {  	[tilespmem:s15], [sflag:$0x2] =	stream.indirect_vreg.gather [hbm4b:s9+s3], $0x80, v4, vm0, $0xb8;
	[tilespmem:$0x19000] =	vst v63  }
0x11a: {  	s16 =	simm.s32 $0x7000  }
0x11b: {  	[tilespmem:s16], [sflag:$0x2] =	stream.indirect_vreg.gather [hbm4b:s1+s3], $0x80, v3, vm0, $0xb8;
	[tilespmem:$0x19000] =	vst v63  }
0x11c: {  	s13 =	simm.s32 $0x7800  }
0x11d: {  	[tilespmem:s13], [sflag:$0x2] =	stream.indirect_vreg.gather [hbm4b:s7+s3], $0x80, v3, vm0, $0xb8;
	[tilespmem:$0x19000] =	vst v63  }
0x11e: {  	s14 =	simm.s32 $0x8000  }
0x11f: {  	[tilespmem:s14], [sflag:$0x2] =	stream.indirect_vreg.gather [hbm4b:s8+s3], $0x80, v3, vm0, $0xb8;
	[tilespmem:$0x19000] =	vst v63  }
0x120: {  	s15 =	simm.s32 $0x8800  }
0x121: {  	[tilespmem:s15], [sflag:$0x2] =	stream.indirect_vreg.gather [hbm4b:s9+s3], $0x80, v3, vm0, $0xb8;
	[tilespmem:$0x19000] =	vst v63  }
0x122: {  	_ =	swait.ge [sflag:s22], $0x4000  }
0x123: {  	[sflag:s22] =	ssyncset.done $0x0  }
0x124: {  	s2 =	simm.s32 $0x0;
	s16 =	simm.s32 $0x0;
	[sflag:s22] =	ssyncadd.s32 $0xFFFFC000  }
0x125: {  	s13 =	sand.u32 $0x2000, s16;
	s14 =	sand.u32 $0x1C00, s3;
	_ =	swait.ge [sflag:s23], $0x4000  }
0x126: {  	s16 =	sand.u32 $0x380, s2;
	s13 =	sor.u32 s14, s13;
	[sflag:s23] =	ssyncset.done $0x0  }
0x127: {  	s13 =	sor.u32 s16, s13;
	[sflag:s23] =	ssyncadd.s32 $0xFFFFC000  }
0x128: {  	v3 =	vld [tilespmem:s13+$0x11070]  }
0x129: {  	v4 =	vld [tilespmem:s13+$0x15070]  }
0x12a: {  	v5 =	vld [tilespmem:s13+$0x11000]  }
0x12b: {  	v6 =	vld [tilespmem:s13+$0x15000]  }
0x12c: {  	v8 =	vld [tilespmem:s13+$0x11010]  }
0x12d: {  	v9 =	vld [tilespmem:s13+$0x15010]  }
0x12e: {  	v10 =	vld [tilespmem:s13+$0x11020]  }
0x12f: {  	v11 =	vld [tilespmem:s13+$0x11030]  }
0x130: {  	v12 =	vld [tilespmem:s13+$0x15030]  }
0x131: {  	v13 =	vld [tilespmem:s13+$0x11040]  }
0x132: {  	v14 =	vld [tilespmem:s13+$0x15040]  }
0x133: {  	v7 =	vld [tilespmem:s13+$0x15050];
	v3 =	vadd.f32 v4, v3  }
0x134: {  	v4 =	vld [tilespmem:s13+$0x15020]  }
0x135: {  	[tilespmem:s13+$0x1070] =	vst.add.f32.msk $0xffff, v3;
	v3 =	vadd.f32 v6, v5  }
0x136: {  	v5 =	vld [tilespmem:s13+$0x11050]  }
0x137: {  	[tilespmem:s13+$0x1000] =	vst.add.f32.msk $0xffff, v3  }
0x138: {  	v3 =	vld [tilespmem:s13+$0x11060]  }
0x139: {  	v15 =	vadd.f32 v9, v8;
	v6 =	vadd.f32 v4, v10;
	v4 =	vld [tilespmem:s13+$0x15060];
	_ =	sdelay $0x1  }
0x13a: {  	s14 =	simm.s32 $0x0;
	v8 =	vadd.f32 v12, v11;
	v9 =	vadd.f32 v14, v13;
	[tilespmem:s13+$0x1010] =	vst.add.f32.msk $0xffff, v15  }
.LBB2_7:
0x13b: {  	s14 =	sadd.s32 $0x8, s14;
	[tilespmem:s13+$0x1020] =	vst.add.f32.msk $0xffff, v6;
	v5 =	vadd.f32 v7, v5  }
0x13c: {  	s3 =	sadd.s32 $0x400, s3;
	s15 =	sshll.u32 s14, $0x4;
	p0 =	slt.u32 s14, $0x3F8;
	[tilespmem:s13+$0x1030] =	vst.add.f32.msk $0xffff, v8  }
0x13d: {  	s2 =	sand.u32 $0x1C00, s3;
	s16 =	sshll.u32 s14, $0x1;
	s15 =	sand.u32 $0x2000, s15;
	[tilespmem:s13+$0x1040] =	vst.add.f32.msk $0xffff, v9;
	v3 =	vadd.f32 v4, v3  }
0x13e: {  	s2 =	sor.u32 s2, s15;
	s15 =	sand.u32 $0x380, s16;
	[tilespmem:s13+$0x1050] =	vst.add.f32.msk $0xffff, v5  }
0x13f: {  	[tilespmem:s13+$0x1060] =	vst.add.f32.msk $0xffff, v3;
	s13 =	sor.u32 s15, s2  }
0x140: {  	v3 =	vld [tilespmem:s13+$0x11070]  }
0x141: {  	v4 =	vld [tilespmem:s13+$0x15070]  }
0x142: {  	v5 =	vld [tilespmem:s13+$0x11000]  }
0x143: {  	v6 =	vld [tilespmem:s13+$0x15000]  }
0x144: {  	v7 =	vld [tilespmem:s13+$0x11010]  }
0x145: {  	v8 =	vld [tilespmem:s13+$0x15010]  }
0x146: {  	v9 =	vld [tilespmem:s13+$0x11020];
	v3 =	vadd.f32 v4, v3  }
0x147: {  	v4 =	vld [tilespmem:s13+$0x15020]  }
0x148: {  	v10 =	vadd.f32 v6, v5;
	[tilespmem:s13+$0x1070] =	vst.add.f32.msk $0xffff, v3  }
0x149: {  	v3 =	vld [tilespmem:s13+$0x11030]  }
0x14a: {  	v11 =	vadd.f32 v8, v7;
	v8 =	vld [tilespmem:s13+$0x15030]  }
0x14b: {  	v12 =	vld [tilespmem:s13+$0x11040]  }
0x14c: {  	v6 =	vadd.f32 v4, v9;
	v9 =	vld [tilespmem:s13+$0x15040]  }
0x14d: {  	v5 =	vld [tilespmem:s13+$0x11050]  }
.Ltmp2:
0x14e: {  	v7 =	vld [tilespmem:s13+$0x15050];
	(pc) =	sbr.rel @p0 .LBB2_7-.Ltmp2, $4  }
0x14f: {  	v8 =	vadd.f32 v8, v3;
	v3 =	vld [tilespmem:s13+$0x11060]  }
0x150: {  	v4 =	vld [tilespmem:s13+$0x15060]  }
0x151: {  	[tilespmem:s13+$0x1000] =	vst.add.f32.msk $0xffff, v10;
	v9 =	vadd.f32 v9, v12  }
0x152: {  	[tilespmem:s13+$0x1010] =	vst.add.f32.msk $0xffff, v11  }
0x153: {  	[tilespmem:s13+$0x1020] =	vst.add.f32.msk $0xffff, v6  }
0x154: {  	v5 =	vadd.f32 v7, v5;
	[tilespmem:s13+$0x1030] =	vst.add.f32.msk $0xffff, v8  }
0x155: {  	[tilespmem:s13+$0x1040] =	vst.add.f32.msk $0xffff, v9;
	v3 =	vadd.f32 v4, v3  }
0x156: {  	s2 =	sor.u32 s29, s30;
	[tilespmem:s13+$0x1050] =	vst.add.f32.msk $0xffff, v5  }
0x157: {  	s2 =	sor.u32 $0x380, s2;
	[tilespmem:s13+$0x1060] =	vst.add.f32.msk $0xffff, v3  }
0x158: {  	v3 =	vld [tilespmem:s2+$0x0];
	_ =	sdelay $0x4  }
0x159: {  	v4 =	vshll.u32 v3, $0x3  }
0x15a: {  	v3 =	vand.u32 $0x7, v3;
	v4 =	vand.u32 $0xFFFFFFC0, v4  }
0x15b: {  	v3 =	vor.u32 v3, v4  }
0x15c: {  	v4 =	vperm.xlane v3, v0;
	_ =	sdelay $0x1  }
0x15d: {  	v4 =	vadd.s32 v1, v4;
	_ =	sdelay $0x3  }
0x15e: {  	s3 =	simm.s32 $0x0;
	s13 =	simm.s32 $0x11000  }
0x15f: {  	[tilespmem:s13], [sflag:$0x5] =	stream.indirect_vreg.gather [hbm4b:s1+s3], $0x80, v4, vm0, $0xb8;
	[tilespmem:$0x19000] =	vst v63  }
0x160: {  	v3 =	vperm.xlane v3, v2  }
0x161: {  	[tilespmem:s17], [sflag:$0x5] =	stream.indirect_vreg.gather [hbm4b:s7+s3], $0x80, v4, vm0, $0xb8;
	[tilespmem:$0x19000] =	vst v63  }
0x162: {  	v3 =	vadd.s32 v1, v3  }
0x163: {  	[tilespmem:s18], [sflag:$0x5] =	stream.indirect_vreg.gather [hbm4b:s8+s3], $0x80, v4, vm0, $0xb8;
	[tilespmem:$0x19000] =	vst v63  }
0x164: {  	_ = 	snop  }
0x165: {  	[tilespmem:s19], [sflag:$0x5] =	stream.indirect_vreg.gather [hbm4b:s9+s3], $0x80, v4, vm0, $0xb8;
	[tilespmem:$0x19000] =	vst v63  }
0x166: {  	_ = 	snop  }
0x167: {  	[tilespmem:s6], [sflag:$0x5] =	stream.indirect_vreg.gather [hbm4b:s1+s3], $0x80, v3, vm0, $0xb8;
	[tilespmem:$0x19000] =	vst v63  }
0x168: {  	_ = 	snop  }
0x169: {  	[tilespmem:s10], [sflag:$0x5] =	stream.indirect_vreg.gather [hbm4b:s7+s3], $0x80, v3, vm0, $0xb8;
	[tilespmem:$0x19000] =	vst v63  }
0x16a: {  	_ = 	snop  }
0x16b: {  	[tilespmem:s11], [sflag:$0x5] =	stream.indirect_vreg.gather [hbm4b:s8+s3], $0x80, v3, vm0, $0xb8;
	[tilespmem:$0x19000] =	vst v63  }
0x16c: {  	_ = 	snop  }
0x16d: {  	[tilespmem:s12], [sflag:$0x5] =	stream.indirect_vreg.gather [hbm4b:s9+s3], $0x80, v3, vm0, $0xb8;
	[tilespmem:$0x19000] =	vst v63  }
0x16e: {  	v3 =	vld [tilespmem:s0+$0x200];
	_ =	sdelay $0x4  }
0x16f: {  	v4 =	vshll.u32 v3, $0x3  }
0x170: {  	v3 =	vand.u32 $0x7, v3;
	v4 =	vand.u32 $0xFFFFFFC0, v4  }
0x171: {  	v3 =	vor.u32 v3, v4  }
0x172: {  	v4 =	vperm.xlane v3, v0;
	_ =	sdelay $0x1  }
0x173: {  	v4 =	vadd.s32 v1, v4;
	_ =	sdelay $0x3  }
0x174: {  	s14 =	simm.s32 $0x15000  }
0x175: {  	[tilespmem:s14], [sflag:$0x6] =	stream.indirect_vreg.gather [hbm4b:s1+s3], $0x80, v4, vm0, $0xb8;
	[tilespmem:$0x19000] =	vst v63  }
0x176: {  	s15 =	simm.s32 $0x15800;
	v3 =	vperm.xlane v3, v2  }
0x177: {  	[tilespmem:s15], [sflag:$0x6] =	stream.indirect_vreg.gather [hbm4b:s7+s3], $0x80, v4, vm0, $0xb8;
	[tilespmem:$0x19000] =	vst v63  }
0x178: {  	s16 =	simm.s32 $0x16000;
	v3 =	vadd.s32 v1, v3  }
0x179: {  	[tilespmem:s16], [sflag:$0x6] =	stream.indirect_vreg.gather [hbm4b:s8+s3], $0x80, v4, vm0, $0xb8;
	[tilespmem:$0x19000] =	vst v63  }
0x17a: {  	s13 =	simm.s32 $0x16800  }
0x17b: {  	[tilespmem:s13], [sflag:$0x6] =	stream.indirect_vreg.gather [hbm4b:s9+s3], $0x80, v4, vm0, $0xb8;
	[tilespmem:$0x19000] =	vst v63  }
0x17c: {  	s14 =	simm.s32 $0x17000  }
0x17d: {  	[tilespmem:s14], [sflag:$0x6] =	stream.indirect_vreg.gather [hbm4b:s1+s3], $0x80, v3, vm0, $0xb8;
	[tilespmem:$0x19000] =	vst v63  }
0x17e: {  	s15 =	simm.s32 $0x17800  }
0x17f: {  	[tilespmem:s15], [sflag:$0x6] =	stream.indirect_vreg.gather [hbm4b:s7+s3], $0x80, v3, vm0, $0xb8;
	[tilespmem:$0x19000] =	vst v63  }
0x180: {  	s16 =	simm.s32 $0x18000  }
0x181: {  	[tilespmem:s16], [sflag:$0x6] =	stream.indirect_vreg.gather [hbm4b:s8+s3], $0x80, v3, vm0, $0xb8;
	[tilespmem:$0x19000] =	vst v63  }
0x182: {  	s13 =	simm.s32 $0x18800  }
0x183: {  	[tilespmem:s13], [sflag:$0x6] =	stream.indirect_vreg.gather [hbm4b:s9+s3], $0x80, v3, vm0, $0xb8;
	[tilespmem:$0x19000] =	vst v63  }
0x184: {  	_ =	swait.ge [sflag:s20], $0x4000  }
0x185: {  	s14 =	simm.s32 $0x0;
	[sflag:s20] =	ssyncset.done $0x0  }
0x186: {  	s2 =	sand.u32 $0x2000, s14;
	[sflag:s20] =	ssyncadd.s32 $0xFFFFC000  }
0x187: {  	s14 =	simm.s32 $0x0;
	s15 =	sand.u32 $0x1C00, s3;
	_ =	swait.ge [sflag:s21], $0x4000  }
0x188: {  	s2 =	sor.u32 s15, s2;
	s16 =	sand.u32 $0x380, s14;
	[sflag:s21] =	ssyncset.done $0x0  }
0x189: {  	s13 =	sor.u32 s16, s2;
	[sflag:s21] =	ssyncadd.s32 $0xFFFFC000  }
0x18a: {  	v3 =	vld [tilespmem:s13+$0x9070]  }
0x18b: {  	v4 =	vld [tilespmem:s13+$0xD070]  }
0x18c: {  	v5 =	vld [tilespmem:s13+$0x9000]  }
0x18d: {  	v6 =	vld [tilespmem:s13+$0xD000]  }
0x18e: {  	v8 =	vld [tilespmem:s13+$0x9010]  }
0x18f: {  	v9 =	vld [tilespmem:s13+$0xD010]  }
0x190: {  	v10 =	vld [tilespmem:s13+$0x9020]  }
0x191: {  	v11 =	vld [tilespmem:s13+$0x9030]  }
0x192: {  	v12 =	vld [tilespmem:s13+$0xD030]  }
0x193: {  	v13 =	vld [tilespmem:s13+$0x9040]  }
0x194: {  	v14 =	vld [tilespmem:s13+$0xD040]  }
0x195: {  	v7 =	vld [tilespmem:s13+$0xD050];
	v3 =	vadd.f32 v4, v3  }
0x196: {  	v4 =	vld [tilespmem:s13+$0xD020]  }
0x197: {  	[tilespmem:s13+$0x1070] =	vst.add.f32.msk $0xffff, v3;
	v3 =	vadd.f32 v6, v5  }
0x198: {  	v5 =	vld [tilespmem:s13+$0x9050]  }
0x199: {  	[tilespmem:s13+$0x1000] =	vst.add.f32.msk $0xffff, v3  }
0x19a: {  	v3 =	vld [tilespmem:s13+$0x9060]  }
0x19b: {  	v15 =	vadd.f32 v9, v8;
	v6 =	vadd.f32 v4, v10;
	v4 =	vld [tilespmem:s13+$0xD060];
	_ =	sdelay $0x1  }
0x19c: {  	s14 =	simm.s32 $0x0;
	v8 =	vadd.f32 v12, v11;
	v9 =	vadd.f32 v14, v13;
	[tilespmem:s13+$0x1010] =	vst.add.f32.msk $0xffff, v15  }
.LBB2_9:
0x19d: {  	s14 =	sadd.s32 $0x8, s14;
	[tilespmem:s13+$0x1020] =	vst.add.f32.msk $0xffff, v6;
	v5 =	vadd.f32 v7, v5  }
0x19e: {  	s3 =	sadd.s32 $0x400, s3;
	s2 =	sshll.u32 s14, $0x4;
	p0 =	slt.u32 s14, $0x3F8;
	[tilespmem:s13+$0x1030] =	vst.add.f32.msk $0xffff, v8  }
0x19f: {  	s15 =	sand.u32 $0x1C00, s3;
	s16 =	sshll.u32 s14, $0x1;
	s2 =	sand.u32 $0x2000, s2;
	[tilespmem:s13+$0x1040] =	vst.add.f32.msk $0xffff, v9;
	v3 =	vadd.f32 v4, v3  }
0x1a0: {  	s2 =	sor.u32 s15, s2;
	s15 =	sand.u32 $0x380, s16;
	[tilespmem:s13+$0x1050] =	vst.add.f32.msk $0xffff, v5  }
0x1a1: {  	[tilespmem:s13+$0x1060] =	vst.add.f32.msk $0xffff, v3;
	s13 =	sor.u32 s15, s2  }
0x1a2: {  	v3 =	vld [tilespmem:s13+$0x9070]  }
0x1a3: {  	v4 =	vld [tilespmem:s13+$0xD070]  }
0x1a4: {  	v5 =	vld [tilespmem:s13+$0x9000]  }
0x1a5: {  	v6 =	vld [tilespmem:s13+$0xD000]  }
0x1a6: {  	v7 =	vld [tilespmem:s13+$0x9010]  }
0x1a7: {  	v8 =	vld [tilespmem:s13+$0xD010]  }
0x1a8: {  	v9 =	vld [tilespmem:s13+$0x9020];
	v3 =	vadd.f32 v4, v3  }
0x1a9: {  	v4 =	vld [tilespmem:s13+$0xD020]  }
0x1aa: {  	v10 =	vadd.f32 v6, v5;
	[tilespmem:s13+$0x1070] =	vst.add.f32.msk $0xffff, v3  }
0x1ab: {  	v3 =	vld [tilespmem:s13+$0x9030]  }
0x1ac: {  	v11 =	vadd.f32 v8, v7;
	v8 =	vld [tilespmem:s13+$0xD030]  }
0x1ad: {  	v12 =	vld [tilespmem:s13+$0x9040]  }
0x1ae: {  	v6 =	vadd.f32 v4, v9;
	v9 =	vld [tilespmem:s13+$0xD040]  }
0x1af: {  	v5 =	vld [tilespmem:s13+$0x9050]  }
.Ltmp3:
0x1b0: {  	v7 =	vld [tilespmem:s13+$0xD050];
	(pc) =	sbr.rel @p0 .LBB2_9-.Ltmp3, $4  }
0x1b1: {  	v8 =	vadd.f32 v8, v3;
	v3 =	vld [tilespmem:s13+$0x9060]  }
0x1b2: {  	v4 =	vld [tilespmem:s13+$0xD060]  }
0x1b3: {  	[tilespmem:s13+$0x1000] =	vst.add.f32.msk $0xffff, v10;
	v9 =	vadd.f32 v9, v12  }
0x1b4: {  	[tilespmem:s13+$0x1010] =	vst.add.f32.msk $0xffff, v11  }
0x1b5: {  	[tilespmem:s13+$0x1020] =	vst.add.f32.msk $0xffff, v6  }
0x1b6: {  	v5 =	vadd.f32 v7, v5;
	[tilespmem:s13+$0x1030] =	vst.add.f32.msk $0xffff, v8  }
0x1b7: {  	[tilespmem:s13+$0x1040] =	vst.add.f32.msk $0xffff, v9;
	v3 =	vadd.f32 v4, v3  }
0x1b8: {  	[tilespmem:s13+$0x1050] =	vst.add.f32.msk $0xffff, v5  }
0x1b9: {  	[tilespmem:s13+$0x1060] =	vst.add.f32.msk $0xffff, v3  }
0x1ba: {  	v3 =	vld [tilespmem:s0+$0x80];
	_ =	sdelay $0x4  }
0x1bb: {  	v4 =	vshll.u32 v3, $0x3  }
0x1bc: {  	v3 =	vand.u32 $0x7, v3;
	v4 =	vand.u32 $0xFFFFFFC0, v4  }
0x1bd: {  	v3 =	vor.u32 v3, v4  }
0x1be: {  	v4 =	vperm.xlane v3, v0;
	_ =	sdelay $0x1  }
0x1bf: {  	v4 =	vadd.s32 v1, v4;
	_ =	sdelay $0x3  }
0x1c0: {  	s3 =	simm.s32 $0x0;
	s2 =	simm.s32 $0x9000  }
0x1c1: {  	[tilespmem:s2], [sflag:$0x3] =	stream.indirect_vreg.gather [hbm4b:s1+s3], $0x80, v4, vm0, $0xb8;
	[tilespmem:$0x19000] =	vst v63  }
0x1c2: {  	s15 =	simm.s32 $0x9800;
	v3 =	vperm.xlane v3, v2  }
0x1c3: {  	[tilespmem:s15], [sflag:$0x3] =	stream.indirect_vreg.gather [hbm4b:s7+s3], $0x80, v4, vm0, $0xb8;
	[tilespmem:$0x19000] =	vst v63  }
0x1c4: {  	s16 =	simm.s32 $0xA000;
	v3 =	vadd.s32 v1, v3  }
0x1c5: {  	[tilespmem:s16], [sflag:$0x3] =	stream.indirect_vreg.gather [hbm4b:s8+s3], $0x80, v4, vm0, $0xb8;
	[tilespmem:$0x19000] =	vst v63  }
0x1c6: {  	s13 =	simm.s32 $0xA800  }
0x1c7: {  	[tilespmem:s13], [sflag:$0x3] =	stream.indirect_vreg.gather [hbm4b:s9+s3], $0x80, v4, vm0, $0xb8;
	[tilespmem:$0x19000] =	vst v63  }
0x1c8: {  	s14 =	simm.s32 $0xB000  }
0x1c9: {  	[tilespmem:s14], [sflag:$0x3] =	stream.indirect_vreg.gather [hbm4b:s1+s3], $0x80, v3, vm0, $0xb8;
	[tilespmem:$0x19000] =	vst v63  }
0x1ca: {  	s15 =	simm.s32 $0xB800  }
0x1cb: {  	[tilespmem:s15], [sflag:$0x3] =	stream.indirect_vreg.gather [hbm4b:s7+s3], $0x80, v3, vm0, $0xb8;
	[tilespmem:$0x19000] =	vst v63  }
0x1cc: {  	s16 =	simm.s32 $0xC000  }
0x1cd: {  	[tilespmem:s16], [sflag:$0x3] =	stream.indirect_vreg.gather [hbm4b:s8+s3], $0x80, v3, vm0, $0xb8;
	[tilespmem:$0x19000] =	vst v63  }
0x1ce: {  	s13 =	simm.s32 $0xC800  }
0x1cf: {  	[tilespmem:s13], [sflag:$0x3] =	stream.indirect_vreg.gather [hbm4b:s9+s3], $0x80, v3, vm0, $0xb8;
	[tilespmem:$0x19000] =	vst v63  }
0x1d0: {  	v3 =	vld [tilespmem:s0+$0x100];
	_ =	sdelay $0x4  }
0x1d1: {  	v4 =	vshll.u32 v3, $0x3  }
0x1d2: {  	v3 =	vand.u32 $0x7, v3;
	v4 =	vand.u32 $0xFFFFFFC0, v4  }
0x1d3: {  	v3 =	vor.u32 v3, v4  }
0x1d4: {  	v4 =	vperm.xlane v3, v0;
	_ =	sdelay $0x1  }
0x1d5: {  	v4 =	vadd.s32 v1, v4;
	_ =	sdelay $0x3  }
0x1d6: {  	s14 =	simm.s32 $0xD000  }
0x1d7: {  	[tilespmem:s14], [sflag:$0x4] =	stream.indirect_vreg.gather [hbm4b:s1+s3], $0x80, v4, vm0, $0xb8;
	[tilespmem:$0x19000] =	vst v63  }
0x1d8: {  	s15 =	simm.s32 $0xD800;
	v3 =	vperm.xlane v3, v2  }
0x1d9: {  	[tilespmem:s15], [sflag:$0x4] =	stream.indirect_vreg.gather [hbm4b:s7+s3], $0x80, v4, vm0, $0xb8;
	[tilespmem:$0x19000] =	vst v63  }
0x1da: {  	s16 =	simm.s32 $0xE000;
	v3 =	vadd.s32 v1, v3  }
0x1db: {  	[tilespmem:s16], [sflag:$0x4] =	stream.indirect_vreg.gather [hbm4b:s8+s3], $0x80, v4, vm0, $0xb8;
	[tilespmem:$0x19000] =	vst v63  }
0x1dc: {  	s13 =	simm.s32 $0xE800  }
0x1dd: {  	[tilespmem:s13], [sflag:$0x4] =	stream.indirect_vreg.gather [hbm4b:s9+s3], $0x80, v4, vm0, $0xb8;
	[tilespmem:$0x19000] =	vst v63  }
0x1de: {  	s14 =	simm.s32 $0xF000  }
0x1df: {  	[tilespmem:s14], [sflag:$0x4] =	stream.indirect_vreg.gather [hbm4b:s1+s3], $0x80, v3, vm0, $0xb8;
	[tilespmem:$0x19000] =	vst v63  }
0x1e0: {  	s15 =	simm.s32 $0xF800  }
0x1e1: {  	[tilespmem:s15], [sflag:$0x4] =	stream.indirect_vreg.gather [hbm4b:s7+s3], $0x80, v3, vm0, $0xb8;
	[tilespmem:$0x19000] =	vst v63  }
0x1e2: {  	s16 =	simm.s32 $0x10000;
	s14 =	simm.s32 $0x0  }
0x1e3: {  	[tilespmem:s16], [sflag:$0x4] =	stream.indirect_vreg.gather [hbm4b:s8+s3], $0x80, v3, vm0, $0xb8;
	[tilespmem:$0x19000] =	vst v63  }
0x1e4: {  	s13 =	simm.s32 $0x10800;
	s2 =	sand.u32 $0x2000, s14  }
0x1e5: {  	[tilespmem:s13], [sflag:$0x4] =	stream.indirect_vreg.gather [hbm4b:s9+s3], $0x80, v3, vm0, $0xb8;
	[tilespmem:$0x19000] =	vst v63  }
0x1e6: {  	s14 =	simm.s32 $0x0;
	s15 =	sand.u32 $0x1800, s3;
	_ =	swait.ge [sflag:s22], $0x4000  }
0x1e7: {  	s2 =	sor.u32 s15, s2;
	s16 =	sand.u32 $0x380, s14;
	[sflag:s22] =	ssyncset.done $0x0  }
0x1e8: {  	s13 =	sor.u32 s16, s2;
	[sflag:s22] =	ssyncadd.s32 $0xFFFFC000  }
0x1e9: {  	v3 =	vld [tilespmem:s13+$0x11470]  }
0x1ea: {  	v8 =	vld [tilespmem:s13+$0x11000]  }
0x1eb: {  	v63 =	vld [tilespmem:s13+$0x11010]  }
0x1ec: {  	v10 =	vld [tilespmem:s13+$0x11020]  }
0x1ed: {  	v11 =	vld [tilespmem:s13+$0x11030]  }
0x1ee: {  	v12 =	vld [tilespmem:s13+$0x11040]  }
0x1ef: {  	v13 =	vld [tilespmem:s13+$0x11050]  }
0x1f0: {  	v14 =	vld [tilespmem:s13+$0x11060]  }
0x1f1: {  	v15 =	vld [tilespmem:s13+$0x11070]  }
0x1f2: {  	v16 =	vld [tilespmem:s13+$0x11400]  }
0x1f3: {  	v17 =	vld [tilespmem:s13+$0x11410]  }
0x1f4: {  	v7 =	vld [tilespmem:s13+$0x11420]  }
0x1f5: {  	v6 =	vld [tilespmem:s13+$0x11430]  }
0x1f6: {  	v5 =	vld [tilespmem:s13+$0x11440]  }
0x1f7: {  	v4 =	vld [tilespmem:s13+$0x11460]  }
0x1f8: {  	[tilespmem:s13+$0x1470] =	vst.add.f32.msk $0xffff, v3  }
0x1f9: {  	v3 =	vld [tilespmem:s13+$0x11450]  }
0x1fa: {  	[tilespmem:s13+$0x1000] =	vst.add.f32.msk $0xffff, v8  }
0x1fb: {  	[tilespmem:s13+$0x1010] =	vst.add.f32.msk $0xffff, v63  }
0x1fc: {  	[tilespmem:s13+$0x1020] =	vst.add.f32.msk $0xffff, v10  }
0x1fd: {  	[tilespmem:s13+$0x1030] =	vst.add.f32.msk $0xffff, v11  }
0x1fe: {  	[tilespmem:s13+$0x1040] =	vst.add.f32.msk $0xffff, v12  }
0x1ff: {  	[tilespmem:s13+$0x1050] =	vst.add.f32.msk $0xffff, v13  }
0x200: {  	[tilespmem:s13+$0x1060] =	vst.add.f32.msk $0xffff, v14  }
0x201: {  	[tilespmem:s13+$0x1070] =	vst.add.f32.msk $0xffff, v15  }
0x202: {  	[tilespmem:s13+$0x1400] =	vst.add.f32.msk $0xffff, v16  }
0x203: {  	s14 =	simm.s32 $0x0;
	[tilespmem:s13+$0x1410] =	vst.add.f32.msk $0xffff, v17  }
.LBB2_11:
0x204: {  	s14 =	sadd.s32 $0x10, s14;
	[tilespmem:s13+$0x1420] =	vst.add.f32.msk $0xffff, v7  }
0x205: {  	s3 =	sadd.s32 $0x800, s3;
	s2 =	sshll.u32 s14, $0x4;
	p0 =	slt.u32 s14, $0x3F0;
	[tilespmem:s13+$0x1430] =	vst.add.f32.msk $0xffff, v6  }
0x206: {  	s15 =	sand.u32 $0x1800, s3;
	s16 =	sshll.u32 s14, $0x1;
	s2 =	sand.u32 $0x2000, s2;
	[tilespmem:s13+$0x1440] =	vst.add.f32.msk $0xffff, v5  }
0x207: {  	s2 =	sor.u32 s15, s2;
	s15 =	sand.u32 $0x380, s16;
	[tilespmem:s13+$0x1450] =	vst.add.f32.msk $0xffff, v3  }
0x208: {  	[tilespmem:s13+$0x1460] =	vst.add.f32.msk $0xffff, v4;
	s13 =	sor.u32 s15, s2  }
0x209: {  	v3 =	vld [tilespmem:s13+$0x11470]  }
0x20a: {  	v8 =	vld [tilespmem:s13+$0x11000]  }
0x20b: {  	v9 =	vld [tilespmem:s13+$0x11010]  }
0x20c: {  	v10 =	vld [tilespmem:s13+$0x11020]  }
0x20d: {  	v11 =	vld [tilespmem:s13+$0x11030]  }
0x20e: {  	[tilespmem:s13+$0x1470] =	vst.add.f32.msk $0xffff, v3  }
0x20f: {  	v12 =	vld [tilespmem:s13+$0x11040]  }
0x210: {  	v13 =	vld [tilespmem:s13+$0x11050]  }
0x211: {  	v14 =	vld [tilespmem:s13+$0x11060]  }
0x212: {  	v15 =	vld [tilespmem:s13+$0x11070]  }
0x213: {  	v16 =	vld [tilespmem:s13+$0x11400]  }
0x214: {  	v17 =	vld [tilespmem:s13+$0x11410]  }
0x215: {  	v7 =	vld [tilespmem:s13+$0x11420]  }
0x216: {  	v6 =	vld [tilespmem:s13+$0x11430]  }
0x217: {  	v5 =	vld [tilespmem:s13+$0x11440]  }
0x218: {  	v3 =	vld [tilespmem:s13+$0x11450]  }
0x219: {  	v4 =	vld [tilespmem:s13+$0x11460]  }
0x21a: {  	[tilespmem:s13+$0x1000] =	vst.add.f32.msk $0xffff, v8  }
0x21b: {  	[tilespmem:s13+$0x1010] =	vst.add.f32.msk $0xffff, v9  }
0x21c: {  	[tilespmem:s13+$0x1020] =	vst.add.f32.msk $0xffff, v10  }
0x21d: {  	[tilespmem:s13+$0x1030] =	vst.add.f32.msk $0xffff, v11  }
0x21e: {  	[tilespmem:s13+$0x1040] =	vst.add.f32.msk $0xffff, v12  }
.Ltmp4:
0x21f: {  	[tilespmem:s13+$0x1050] =	vst.add.f32.msk $0xffff, v13;
	(pc) =	sbr.rel @p0 .LBB2_11-.Ltmp4, $4  }
0x220: {  	[tilespmem:s13+$0x1060] =	vst.add.f32.msk $0xffff, v14  }
0x221: {  	[tilespmem:s13+$0x1070] =	vst.add.f32.msk $0xffff, v15  }
0x222: {  	[tilespmem:s13+$0x1400] =	vst.add.f32.msk $0xffff, v16  }
0x223: {  	[tilespmem:s13+$0x1410] =	vst.add.f32.msk $0xffff, v17  }
0x224: {  	[tilespmem:s13+$0x1420] =	vst.add.f32.msk $0xffff, v7  }
0x225: {  	[tilespmem:s13+$0x1430] =	vst.add.f32.msk $0xffff, v6  }
0x226: {  	[tilespmem:s13+$0x1440] =	vst.add.f32.msk $0xffff, v5  }
0x227: {  	[tilespmem:s13+$0x1450] =	vst.add.f32.msk $0xffff, v3  }
0x228: {  	[tilespmem:s13+$0x1460] =	vst.add.f32.msk $0xffff, v4  }
0x229: {  	v3 =	vld [tilespmem:s0+$0x180];
	_ =	sdelay $0x4  }
0x22a: {  	v4 =	vshll.u32 v3, $0x3  }
0x22b: {  	v3 =	vand.u32 $0x7, v3;
	v4 =	vand.u32 $0xFFFFFFC0, v4  }
0x22c: {  	v3 =	vor.u32 v3, v4  }
0x22d: {  	v4 =	vperm.xlane v3, v0;
	_ =	sdelay $0x1  }
0x22e: {  	v4 =	vadd.s32 v1, v4;
	_ =	sdelay $0x3  }
0x22f: {  	s3 =	simm.s32 $0x0;
	s2 =	simm.s32 $0x11000  }
0x230: {  	[tilespmem:s2], [sflag:$0x5] =	stream.indirect_vreg.gather [hbm4b:s1+s3], $0x80, v4, vm0, $0xb8;
	[tilespmem:$0x19000] =	vst v63  }
0x231: {  	v3 =	vperm.xlane v3, v2  }
0x232: {  	[tilespmem:s17], [sflag:$0x5] =	stream.indirect_vreg.gather [hbm4b:s7+s3], $0x80, v4, vm0, $0xb8;
	[tilespmem:$0x19000] =	vst v63  }
0x233: {  	v3 =	vadd.s32 v1, v3  }
0x234: {  	[tilespmem:s18], [sflag:$0x5] =	stream.indirect_vreg.gather [hbm4b:s8+s3], $0x80, v4, vm0, $0xb8;
	[tilespmem:$0x19000] =	vst v63  }
0x235: {  	_ = 	snop  }
0x236: {  	[tilespmem:s19], [sflag:$0x5] =	stream.indirect_vreg.gather [hbm4b:s9+s3], $0x80, v4, vm0, $0xb8;
	[tilespmem:$0x19000] =	vst v63  }
0x237: {  	_ = 	snop  }
0x238: {  	[tilespmem:s6], [sflag:$0x5] =	stream.indirect_vreg.gather [hbm4b:s1+s3], $0x80, v3, vm0, $0xb8;
	[tilespmem:$0x19000] =	vst v63  }
0x239: {  	_ = 	snop  }
0x23a: {  	[tilespmem:s10], [sflag:$0x5] =	stream.indirect_vreg.gather [hbm4b:s7+s3], $0x80, v3, vm0, $0xb8;
	[tilespmem:$0x19000] =	vst v63  }
0x23b: {  	s14 =	sadd.s32 s5, s30  }
0x23c: {  	[tilespmem:s11], [sflag:$0x5] =	stream.indirect_vreg.gather [hbm4b:s8+s3], $0x80, v3, vm0, $0xb8;
	[tilespmem:$0x19000] =	vst v63  }
0x23d: {  	s15 =	rddreg [dreg:$0x2];
	s2 =	sshll.u32 s14, $0x7  }
0x23e: {  	[tilespmem:s12], [sflag:$0x5] =	stream.indirect_vreg.gather [hbm4b:s9+s3], $0x80, v3, vm0, $0xb8;
	[tilespmem:$0x19000] =	vst v63  }
0x23f: {  	s16 =	simm.s32 $0x1000;
	s2 =	sadd.s32 s15, s2  }
0x240: {  	[hbm4b:s2+s3] =	stream.linear.scatter [tilespmem:s16], [sflag:$0x7], $0x4000, $0x38;
	[tilespmem:$0x19000] =	vst v63  }
0x241: {  	_ =	swait.ge [sflag:s24], $0x4000  }
0x242: {  	[sflag:s24] =	ssyncset.done $0x0  }
0x243: {  	[sflag:s24] =	ssyncadd.s32 $0xFFFFC000  }
0x244: {  	_ =	swait.ge [sflag:s20], $0x4000  }
0x245: {  	[sflag:s20] =	ssyncset.done $0x0  }
0x246: {  	s14 =	simm.s32 $0x0;
	s15 =	sand.u32 $0x1C00, s3;
	[sflag:s20] =	ssyncadd.s32 $0xFFFFC000  }
0x247: {  	s2 =	sand.u32 $0x2000, s14;
	s14 =	simm.s32 $0x0;
	_ =	swait.ge [sflag:s21], $0x4000  }
0x248: {  	s2 =	sor.u32 s15, s2;
	s16 =	sand.u32 $0x380, s14;
	[sflag:s21] =	ssyncset.done $0x0  }
0x249: {  	s13 =	sor.u32 s16, s2;
	[sflag:s21] =	ssyncadd.s32 $0xFFFFC000  }
0x24a: {  	v3 =	vld [tilespmem:s13+$0x9070]  }
0x24b: {  	v4 =	vld [tilespmem:s13+$0xD070]  }
0x24c: {  	v5 =	vld [tilespmem:s13+$0x9000]  }
0x24d: {  	v6 =	vld [tilespmem:s13+$0xD000]  }
0x24e: {  	v8 =	vld [tilespmem:s13+$0x9010]  }
0x24f: {  	v9 =	vld [tilespmem:s13+$0xD010]  }
0x250: {  	v10 =	vld [tilespmem:s13+$0x9020]  }
0x251: {  	v11 =	vld [tilespmem:s13+$0x9030]  }
0x252: {  	v12 =	vld [tilespmem:s13+$0xD030]  }
0x253: {  	v13 =	vld [tilespmem:s13+$0x9040]  }
0x254: {  	v14 =	vld [tilespmem:s13+$0xD040]  }
0x255: {  	v7 =	vld [tilespmem:s13+$0xD050];
	v3 =	vadd.f32 v4, v3  }
0x256: {  	v4 =	vld [tilespmem:s13+$0xD020]  }
0x257: {  	[tilespmem:s13+$0x5070] =	vst.add.f32.msk $0xffff, v3;
	v3 =	vadd.f32 v6, v5  }
0x258: {  	v5 =	vld [tilespmem:s13+$0x9050]  }
0x259: {  	[tilespmem:s13+$0x5000] =	vst.add.f32.msk $0xffff, v3  }
0x25a: {  	v3 =	vld [tilespmem:s13+$0x9060]  }
0x25b: {  	v15 =	vadd.f32 v9, v8;
	v6 =	vadd.f32 v4, v10;
	v4 =	vld [tilespmem:s13+$0xD060];
	_ =	sdelay $0x1  }
0x25c: {  	s14 =	simm.s32 $0x0;
	v8 =	vadd.f32 v12, v11;
	v9 =	vadd.f32 v14, v13;
	[tilespmem:s13+$0x5010] =	vst.add.f32.msk $0xffff, v15  }
.LBB2_13:
0x25d: {  	s14 =	sadd.s32 $0x8, s14;
	[tilespmem:s13+$0x5020] =	vst.add.f32.msk $0xffff, v6;
	v5 =	vadd.f32 v7, v5  }
0x25e: {  	s3 =	sadd.s32 $0x400, s3;
	s2 =	sshll.u32 s14, $0x4;
	p0 =	slt.u32 s14, $0x3F8;
	[tilespmem:s13+$0x5030] =	vst.add.f32.msk $0xffff, v8  }
0x25f: {  	s15 =	sand.u32 $0x1C00, s3;
	s16 =	sshll.u32 s14, $0x1;
	s2 =	sand.u32 $0x2000, s2;
	[tilespmem:s13+$0x5040] =	vst.add.f32.msk $0xffff, v9;
	v3 =	vadd.f32 v4, v3  }
0x260: {  	s2 =	sor.u32 s15, s2;
	s15 =	sand.u32 $0x380, s16;
	[tilespmem:s13+$0x5050] =	vst.add.f32.msk $0xffff, v5  }
0x261: {  	[tilespmem:s13+$0x5060] =	vst.add.f32.msk $0xffff, v3;
	s13 =	sor.u32 s15, s2  }
0x262: {  	v3 =	vld [tilespmem:s13+$0x9070]  }
0x263: {  	v4 =	vld [tilespmem:s13+$0xD070]  }
0x264: {  	v5 =	vld [tilespmem:s13+$0x9000]  }
0x265: {  	v6 =	vld [tilespmem:s13+$0xD000]  }
0x266: {  	v7 =	vld [tilespmem:s13+$0x9010]  }
0x267: {  	v8 =	vld [tilespmem:s13+$0xD010]  }
0x268: {  	v9 =	vld [tilespmem:s13+$0x9020];
	v3 =	vadd.f32 v4, v3  }
0x269: {  	v4 =	vld [tilespmem:s13+$0xD020]  }
0x26a: {  	v10 =	vadd.f32 v6, v5;
	[tilespmem:s13+$0x5070] =	vst.add.f32.msk $0xffff, v3  }
0x26b: {  	v3 =	vld [tilespmem:s13+$0x9030]  }
0x26c: {  	v11 =	vadd.f32 v8, v7;
	v8 =	vld [tilespmem:s13+$0xD030]  }
0x26d: {  	v12 =	vld [tilespmem:s13+$0x9040]  }
0x26e: {  	v6 =	vadd.f32 v4, v9;
	v9 =	vld [tilespmem:s13+$0xD040]  }
0x26f: {  	v5 =	vld [tilespmem:s13+$0x9050]  }
.Ltmp5:
0x270: {  	v7 =	vld [tilespmem:s13+$0xD050];
	(pc) =	sbr.rel @p0 .LBB2_13-.Ltmp5, $4  }
0x271: {  	v8 =	vadd.f32 v8, v3;
	v3 =	vld [tilespmem:s13+$0x9060]  }
0x272: {  	v4 =	vld [tilespmem:s13+$0xD060]  }
0x273: {  	[tilespmem:s13+$0x5000] =	vst.add.f32.msk $0xffff, v10;
	v9 =	vadd.f32 v9, v12  }
0x274: {  	[tilespmem:s13+$0x5010] =	vst.add.f32.msk $0xffff, v11  }
0x275: {  	[tilespmem:s13+$0x5020] =	vst.add.f32.msk $0xffff, v6  }
0x276: {  	v5 =	vadd.f32 v7, v5;
	[tilespmem:s13+$0x5030] =	vst.add.f32.msk $0xffff, v8  }
0x277: {  	[tilespmem:s13+$0x5040] =	vst.add.f32.msk $0xffff, v9;
	v3 =	vadd.f32 v4, v3  }
0x278: {  	[tilespmem:s13+$0x5050] =	vst.add.f32.msk $0xffff, v5  }
0x279: {  	[tilespmem:s13+$0x5060] =	vst.add.f32.msk $0xffff, v3  }
0x27a: {  	v3 =	vld [tilespmem:s0+$0x280];
	_ =	sdelay $0x4  }
0x27b: {  	v4 =	vshll.u32 v3, $0x3  }
0x27c: {  	v3 =	vand.u32 $0x7, v3;
	v4 =	vand.u32 $0xFFFFFFC0, v4  }
0x27d: {  	v3 =	vor.u32 v3, v4  }
0x27e: {  	v4 =	vperm.xlane v3, v0;
	_ =	sdelay $0x1  }
0x27f: {  	v4 =	vadd.s32 v1, v4;
	_ =	sdelay $0x3  }
0x280: {  	s13 =	simm.s32 $0x9000  }
0x281: {  	[tilespmem:s13], [sflag:$0x3] =	stream.indirect_vreg.gather [hbm4b:s1+s4], $0x80, v4, vm0, $0xb8;
	[tilespmem:$0x19000] =	vst v63  }
0x282: {  	s14 =	simm.s32 $0x9800;
	v3 =	vperm.xlane v3, v2  }
0x283: {  	[tilespmem:s14], [sflag:$0x3] =	stream.indirect_vreg.gather [hbm4b:s7+s4], $0x80, v4, vm0, $0xb8;
	[tilespmem:$0x19000] =	vst v63  }
0x284: {  	s15 =	simm.s32 $0xA000;
	v3 =	vadd.s32 v1, v3  }
0x285: {  	[tilespmem:s15], [sflag:$0x3] =	stream.indirect_vreg.gather [hbm4b:s8+s4], $0x80, v4, vm0, $0xb8;
	[tilespmem:$0x19000] =	vst v63  }
0x286: {  	s16 =	simm.s32 $0xA800  }
0x287: {  	[tilespmem:s16], [sflag:$0x3] =	stream.indirect_vreg.gather [hbm4b:s9+s4], $0x80, v4, vm0, $0xb8;
	[tilespmem:$0x19000] =	vst v63  }
0x288: {  	s2 =	simm.s32 $0xB000  }
0x289: {  	[tilespmem:s2], [sflag:$0x3] =	stream.indirect_vreg.gather [hbm4b:s1+s4], $0x80, v3, vm0, $0xb8;
	[tilespmem:$0x19000] =	vst v63  }
0x28a: {  	s3 =	simm.s32 $0xB800  }
0x28b: {  	[tilespmem:s3], [sflag:$0x3] =	stream.indirect_vreg.gather [hbm4b:s7+s4], $0x80, v3, vm0, $0xb8;
	[tilespmem:$0x19000] =	vst v63  }
0x28c: {  	s13 =	simm.s32 $0xC000;
	s15 =	sor.u32 s31, s29  }
0x28d: {  	[tilespmem:s13], [sflag:$0x3] =	stream.indirect_vreg.gather [hbm4b:s8+s4], $0x80, v3, vm0, $0xb8;
	[tilespmem:$0x19000] =	vst v63  }
0x28e: {  	s14 =	simm.s32 $0xC800;
	s0 =	sor.u32 $0x300, s15  }
0x28f: {  	[tilespmem:s14], [sflag:$0x3] =	stream.indirect_vreg.gather [hbm4b:s9+s4], $0x80, v3, vm0, $0xb8;
	[tilespmem:$0x19000] =	vst v63  }
0x290: {  	v3 =	vld [tilespmem:s0+$0x0];
	_ =	sdelay $0x4  }
0x291: {  	v4 =	vshll.u32 v3, $0x3  }
0x292: {  	v3 =	vand.u32 $0x7, v3;
	v4 =	vand.u32 $0xFFFFFFC0, v4  }
0x293: {  	v3 =	vor.u32 v3, v4  }
0x294: {  	v4 =	vperm.xlane v3, v0;
	_ =	sdelay $0x1  }
0x295: {  	v4 =	vadd.s32 v1, v4;
	_ =	sdelay $0x3  }
0x296: {  	s16 =	simm.s32 $0xD000  }
0x297: {  	[tilespmem:s16], [sflag:$0x4] =	stream.indirect_vreg.gather [hbm4b:s1+s4], $0x80, v4, vm0, $0xb8;
	[tilespmem:$0x19000] =	vst v63  }
0x298: {  	s31 =	simm.s32 $0xD800;
	v3 =	vperm.xlane v3, v2  }
0x299: {  	[tilespmem:s31], [sflag:$0x4] =	stream.indirect_vreg.gather [hbm4b:s7+s4], $0x80, v4, vm0, $0xb8;
	[tilespmem:$0x19000] =	vst v63  }
0x29a: {  	s2 =	simm.s32 $0xE000;
	v3 =	vadd.s32 v1, v3  }
0x29b: {  	[tilespmem:s2], [sflag:$0x4] =	stream.indirect_vreg.gather [hbm4b:s8+s4], $0x80, v4, vm0, $0xb8;
	[tilespmem:$0x19000] =	vst v63  }
0x29c: {  	s3 =	simm.s32 $0xE800  }
0x29d: {  	[tilespmem:s3], [sflag:$0x4] =	stream.indirect_vreg.gather [hbm4b:s9+s4], $0x80, v4, vm0, $0xb8;
	[tilespmem:$0x19000] =	vst v63  }
0x29e: {  	s13 =	simm.s32 $0xF000  }
0x29f: {  	[tilespmem:s13], [sflag:$0x4] =	stream.indirect_vreg.gather [hbm4b:s1+s4], $0x80, v3, vm0, $0xb8;
	[tilespmem:$0x19000] =	vst v63  }
0x2a0: {  	s14 =	simm.s32 $0xF800  }
0x2a1: {  	[tilespmem:s14], [sflag:$0x4] =	stream.indirect_vreg.gather [hbm4b:s7+s4], $0x80, v3, vm0, $0xb8;
	[tilespmem:$0x19000] =	vst v63  }
0x2a2: {  	s15 =	simm.s32 $0x10000  }
0x2a3: {  	[tilespmem:s15], [sflag:$0x4] =	stream.indirect_vreg.gather [hbm4b:s8+s4], $0x80, v3, vm0, $0xb8;
	[tilespmem:$0x19000] =	vst v63  }
0x2a4: {  	p0 =	seq.s32 s26, $0xF;
	s0 =	sadd.s32 $0x20, s30;
	s2 =	simm.s32 $0x10800  }
0x2a5: {  	[tilespmem:s2], [sflag:$0x4] =	stream.indirect_vreg.gather [hbm4b:s9+s4], $0x80, v3, vm0, $0xb8;
	[tilespmem:$0x19000] =	vst v63  }
0x2a6: {  	s2 =	sshll.u32 @!p0 s0, $0x3;
	_ =	swait.ge [sflag:s25], $0x4000  }
0x2a7: {  	s0 =	sand.u32 @!p0 $0x60, s0;
	s2 =	sand.u32 @!p0 $0x1C00, s2;
	[sflag:s25] =	ssyncset.done $0x0  }
0x2a8: {  	s0 =	sor.u32 @!p0 s0, s2;
	[sflag:s25] =	ssyncadd.s32 $0xFFFFC000  }
0x2a9: {  	v3 =	vld @!p0 [tilespmem:s0+$0x0];
	_ =	sdelay $0x4  }
0x2aa: {  	v4 =	vshll.u32 @!p0 v3, $0x3  }
0x2ab: {  	v5 =	vlaneseq.u32 @!p0;
	v3 =	vand.u32 @!p0 $0x7, v3;
	v4 =	vand.u32 @!p0 $0xFFFFFFC0, v4  }
0x2ac: {  	v6 =	vshrl.u32 @!p0 v5, $0x3;
	v3 =	vor.u32 @!p0 v3, v4;
	v4 =	vand.u32 @!p0 $0x7, v5  }
0x2ad: {  	v6 =	vmul.u32 @!p0 $0x8, v6;
	v4 =	vperm.xlane @!p0 v3, v4;
	_ =	sdelay $0x1  }
0x2ae: {  	v4 =	vadd.s32 @!p0 v6, v4;
	_ =	sdelay $0x3  }
0x2af: {  	vm1 =	vmmov @!p0 $0xffff;
	s3 =	simm.s32 @!p0 $0x1000;
	s2 =	simm.s32 @!p0 $0x0  }
0x2b0: {  	v5 =	vor.u32 @!p0 $0x8, v5;
	[tilespmem:s3], [sflag:$0x1] =	stream.indirect_vreg.gather @!p0 [hbm4b:s1+s2], $0x80, v4, vm1, $0xb8;
	[tilespmem:$0x19000] =	vst v63  }
0x2b1: {  	v3 =	vperm.xlane @!p0 v3, v5;
	s3 =	simm.s32 @!p0 $0x1800  }
0x2b2: {  	[tilespmem:s3], [sflag:$0x1] =	stream.indirect_vreg.gather @!p0 [hbm4b:s7+s2], $0x80, v4, vm1, $0xb8;
	[tilespmem:$0x19000] =	vst v63  }
0x2b3: {  	v3 =	vadd.s32 @!p0 v6, v3;
	s3 =	simm.s32 @!p0 $0x2000  }
0x2b4: {  	[tilespmem:s3], [sflag:$0x1] =	stream.indirect_vreg.gather @!p0 [hbm4b:s8+s2], $0x80, v4, vm1, $0xb8;
	[tilespmem:$0x19000] =	vst v63  }
0x2b5: {  	s3 =	simm.s32 @!p0 $0x2800  }
0x2b6: {  	[tilespmem:s3], [sflag:$0x1] =	stream.indirect_vreg.gather @!p0 [hbm4b:s9+s2], $0x80, v4, vm1, $0xb8;
	[tilespmem:$0x19000] =	vst v63  }
0x2b7: {  	s3 =	simm.s32 @!p0 $0x3000  }
0x2b8: {  	[tilespmem:s3], [sflag:$0x1] =	stream.indirect_vreg.gather @!p0 [hbm4b:s1+s2], $0x80, v3, vm1, $0xb8;
	[tilespmem:$0x19000] =	vst v63  }
0x2b9: {  	s3 =	simm.s32 @!p0 $0x3800  }
0x2ba: {  	[tilespmem:s3], [sflag:$0x1] =	stream.indirect_vreg.gather @!p0 [hbm4b:s7+s2], $0x80, v3, vm1, $0xb8;
	[tilespmem:$0x19000] =	vst v63  }
0x2bb: {  	s3 =	simm.s32 @!p0 $0x4000  }
0x2bc: {  	[tilespmem:s3], [sflag:$0x1] =	stream.indirect_vreg.gather @!p0 [hbm4b:s8+s2], $0x80, v3, vm1, $0xb8;
	[tilespmem:$0x19000] =	vst v63  }
0x2bd: {  	s3 =	simm.s32 @!p0 $0x4800  }
0x2be: {  	[tilespmem:s3], [sflag:$0x1] =	stream.indirect_vreg.gather @!p0 [hbm4b:s9+s2], $0x80, v3, vm1, $0xb8;
	[tilespmem:$0x19000] =	vst v63  }
0x2bf: {  	_ =	swait.ge [sflag:s22], $0x4000  }
0x2c0: {  	s16 =	simm.s32 $0x0;
	[sflag:s22] =	ssyncset.done $0x0  }
0x2c1: {  	s14 =	simm.s32 $0x0;
	s3 =	simm.s32 $0x0;
	[sflag:s22] =	ssyncadd.s32 $0xFFFFC000  }
0x2c2: {  	s2 =	sand.u32 $0x2000, s16;
	s30 =	sand.u32 $0x1C00, s3;
	_ =	swait.ge [sflag:s23], $0x4000  }
0x2c3: {  	s31 =	sand.u32 $0x380, s14;
	s2 =	sor.u32 s30, s2;
	[sflag:s23] =	ssyncset.done $0x0  }
0x2c4: {  	s13 =	sor.u32 s31, s2;
	[sflag:s23] =	ssyncadd.s32 $0xFFFFC000  }
0x2c5: {  	v3 =	vld [tilespmem:s13+$0x11070]  }
0x2c6: {  	v4 =	vld [tilespmem:s13+$0x15070]  }
0x2c7: {  	v5 =	vld [tilespmem:s13+$0x11000]  }
0x2c8: {  	v6 =	vld [tilespmem:s13+$0x15000]  }
0x2c9: {  	v8 =	vld [tilespmem:s13+$0x11010]  }
0x2ca: {  	v9 =	vld [tilespmem:s13+$0x15010]  }
0x2cb: {  	v10 =	vld [tilespmem:s13+$0x11020]  }
0x2cc: {  	v11 =	vld [tilespmem:s13+$0x11030]  }
0x2cd: {  	v12 =	vld [tilespmem:s13+$0x15030]  }
0x2ce: {  	v13 =	vld [tilespmem:s13+$0x11040]  }
0x2cf: {  	v14 =	vld [tilespmem:s13+$0x15040]  }
0x2d0: {  	v7 =	vld [tilespmem:s13+$0x15050];
	v3 =	vadd.f32 v4, v3  }
0x2d1: {  	v4 =	vld [tilespmem:s13+$0x15020]  }
0x2d2: {  	[tilespmem:s13+$0x5070] =	vst.add.f32.msk $0xffff, v3;
	v3 =	vadd.f32 v6, v5  }
0x2d3: {  	v5 =	vld [tilespmem:s13+$0x11050]  }
0x2d4: {  	[tilespmem:s13+$0x5000] =	vst.add.f32.msk $0xffff, v3  }
0x2d5: {  	v3 =	vld [tilespmem:s13+$0x11060]  }
0x2d6: {  	v15 =	vadd.f32 v9, v8;
	v6 =	vadd.f32 v4, v10;
	v4 =	vld [tilespmem:s13+$0x15060];
	_ =	sdelay $0x1  }
0x2d7: {  	s14 =	simm.s32 $0x0;
	v8 =	vadd.f32 v12, v11;
	v9 =	vadd.f32 v14, v13;
	[tilespmem:s13+$0x5010] =	vst.add.f32.msk $0xffff, v15  }
.LBB2_15:
0x2d8: {  	s14 =	sadd.s32 $0x8, s14;
	[tilespmem:s13+$0x5020] =	vst.add.f32.msk $0xffff, v6;
	v5 =	vadd.f32 v7, v5  }
0x2d9: {  	s3 =	sadd.s32 $0x400, s3;
	s2 =	sshll.u32 s14, $0x4;
	p1 =	slt.u32 s14, $0x3F8;
	[tilespmem:s13+$0x5030] =	vst.add.f32.msk $0xffff, v8  }
0x2da: {  	s15 =	sand.u32 $0x1C00, s3;
	s16 =	sshll.u32 s14, $0x1;
	s2 =	sand.u32 $0x2000, s2;
	[tilespmem:s13+$0x5040] =	vst.add.f32.msk $0xffff, v9;
	v3 =	vadd.f32 v4, v3  }
0x2db: {  	s2 =	sor.u32 s15, s2;
	s15 =	sand.u32 $0x380, s16;
	[tilespmem:s13+$0x5050] =	vst.add.f32.msk $0xffff, v5  }
0x2dc: {  	[tilespmem:s13+$0x5060] =	vst.add.f32.msk $0xffff, v3;
	s13 =	sor.u32 s15, s2  }
0x2dd: {  	v3 =	vld [tilespmem:s13+$0x11070]  }
0x2de: {  	v4 =	vld [tilespmem:s13+$0x15070]  }
0x2df: {  	v5 =	vld [tilespmem:s13+$0x11000]  }
0x2e0: {  	v6 =	vld [tilespmem:s13+$0x15000]  }
0x2e1: {  	v7 =	vld [tilespmem:s13+$0x11010]  }
0x2e2: {  	v8 =	vld [tilespmem:s13+$0x15010]  }
0x2e3: {  	v9 =	vld [tilespmem:s13+$0x11020];
	v3 =	vadd.f32 v4, v3  }
0x2e4: {  	v4 =	vld [tilespmem:s13+$0x15020]  }
0x2e5: {  	v10 =	vadd.f32 v6, v5;
	[tilespmem:s13+$0x5070] =	vst.add.f32.msk $0xffff, v3  }
0x2e6: {  	v3 =	vld [tilespmem:s13+$0x11030]  }
0x2e7: {  	v11 =	vadd.f32 v8, v7;
	v8 =	vld [tilespmem:s13+$0x15030]  }
0x2e8: {  	v12 =	vld [tilespmem:s13+$0x11040]  }
0x2e9: {  	v6 =	vadd.f32 v4, v9;
	v9 =	vld [tilespmem:s13+$0x15040]  }
0x2ea: {  	v5 =	vld [tilespmem:s13+$0x11050]  }
.Ltmp6:
0x2eb: {  	v7 =	vld [tilespmem:s13+$0x15050];
	(pc) =	sbr.rel @p1 .LBB2_15-.Ltmp6, $4  }
0x2ec: {  	v8 =	vadd.f32 v8, v3;
	v3 =	vld [tilespmem:s13+$0x11060]  }
0x2ed: {  	v4 =	vld [tilespmem:s13+$0x15060]  }
0x2ee: {  	[tilespmem:s13+$0x5000] =	vst.add.f32.msk $0xffff, v10;
	v9 =	vadd.f32 v9, v12  }
0x2ef: {  	[tilespmem:s13+$0x5010] =	vst.add.f32.msk $0xffff, v11  }
0x2f0: {  	[tilespmem:s13+$0x5020] =	vst.add.f32.msk $0xffff, v6  }
0x2f1: {  	v5 =	vadd.f32 v7, v5;
	[tilespmem:s13+$0x5030] =	vst.add.f32.msk $0xffff, v8  }
0x2f2: {  	[tilespmem:s13+$0x5040] =	vst.add.f32.msk $0xffff, v9;
	v3 =	vadd.f32 v4, v3  }
0x2f3: {  	s2 =	sor.u32 s28, s29;
	[tilespmem:s13+$0x5050] =	vst.add.f32.msk $0xffff, v5  }
0x2f4: {  	s2 =	sor.u32 $0x380, s2;
	[tilespmem:s13+$0x5060] =	vst.add.f32.msk $0xffff, v3  }
0x2f5: {  	v3 =	vld [tilespmem:s2+$0x0];
	_ =	sdelay $0x4  }
0x2f6: {  	v4 =	vshll.u32 v3, $0x3  }
0x2f7: {  	v3 =	vand.u32 $0x7, v3;
	v4 =	vand.u32 $0xFFFFFFC0, v4  }
0x2f8: {  	v3 =	vor.u32 v3, v4  }
0x2f9: {  	v4 =	vperm.xlane v3, v0;
	_ =	sdelay $0x1  }
0x2fa: {  	v4 =	vadd.s32 v1, v4;
	_ =	sdelay $0x3  }
0x2fb: {  	s16 =	simm.s32 $0x11000  }
0x2fc: {  	[tilespmem:s16], [sflag:$0x5] =	stream.indirect_vreg.gather [hbm4b:s1+s4], $0x80, v4, vm0, $0xb8;
	[tilespmem:$0x19000] =	vst v63  }
0x2fd: {  	v3 =	vperm.xlane v3, v2  }
0x2fe: {  	[tilespmem:s17], [sflag:$0x5] =	stream.indirect_vreg.gather [hbm4b:s7+s4], $0x80, v4, vm0, $0xb8;
	[tilespmem:$0x19000] =	vst v63  }
0x2ff: {  	v3 =	vadd.s32 v1, v3  }
0x300: {  	[tilespmem:s18], [sflag:$0x5] =	stream.indirect_vreg.gather [hbm4b:s8+s4], $0x80, v4, vm0, $0xb8;
	[tilespmem:$0x19000] =	vst v63  }
0x301: {  	_ = 	snop  }
0x302: {  	[tilespmem:s19], [sflag:$0x5] =	stream.indirect_vreg.gather [hbm4b:s9+s4], $0x80, v4, vm0, $0xb8;
	[tilespmem:$0x19000] =	vst v63  }
0x303: {  	_ = 	snop  }
0x304: {  	[tilespmem:s6], [sflag:$0x5] =	stream.indirect_vreg.gather [hbm4b:s1+s4], $0x80, v3, vm0, $0xb8;
	[tilespmem:$0x19000] =	vst v63  }
0x305: {  	_ = 	snop  }
0x306: {  	[tilespmem:s10], [sflag:$0x5] =	stream.indirect_vreg.gather [hbm4b:s7+s4], $0x80, v3, vm0, $0xb8;
	[tilespmem:$0x19000] =	vst v63  }
0x307: {  	_ = 	snop  }
0x308: {  	[tilespmem:s11], [sflag:$0x5] =	stream.indirect_vreg.gather [hbm4b:s8+s4], $0x80, v3, vm0, $0xb8;
	[tilespmem:$0x19000] =	vst v63  }
0x309: {  	_ = 	snop  }
0x30a: {  	[tilespmem:s12], [sflag:$0x5] =	stream.indirect_vreg.gather [hbm4b:s9+s4], $0x80, v3, vm0, $0xb8;
	[tilespmem:$0x19000] =	vst v63  }
0x30b: {  	v3 =	vld @!p0 [tilespmem:s0+$0x200];
	_ =	sdelay $0x4  }
0x30c: {  	v4 =	vshll.u32 @!p0 v3, $0x3  }
0x30d: {  	v5 =	vlaneseq.u32 @!p0;
	v3 =	vand.u32 @!p0 $0x7, v3;
	v4 =	vand.u32 @!p0 $0xFFFFFFC0, v4  }
0x30e: {  	v6 =	vshrl.u32 @!p0 v5, $0x3;
	v3 =	vor.u32 @!p0 v3, v4;
	v4 =	vand.u32 @!p0 $0x7, v5  }
0x30f: {  	v6 =	vmul.u32 @!p0 $0x8, v6;
	v4 =	vperm.xlane @!p0 v3, v4;
	_ =	sdelay $0x1  }
0x310: {  	v4 =	vadd.s32 @!p0 v6, v4;
	_ =	sdelay $0x3  }
0x311: {  	s3 =	simm.s32 @!p0 $0x15000;
	s2 =	simm.s32 @!p0 $0x0  }
0x312: {  	v5 =	vor.u32 @!p0 $0x8, v5;
	[tilespmem:s3], [sflag:$0x6] =	stream.indirect_vreg.gather @!p0 [hbm4b:s1+s2], $0x80, v4, vm1, $0xb8;
	[tilespmem:$0x19000] =	vst v63  }
0x313: {  	v3 =	vperm.xlane @!p0 v3, v5;
	s3 =	simm.s32 @!p0 $0x15800  }
0x314: {  	[tilespmem:s3], [sflag:$0x6] =	stream.indirect_vreg.gather @!p0 [hbm4b:s7+s2], $0x80, v4, vm1, $0xb8;
	[tilespmem:$0x19000] =	vst v63  }
0x315: {  	v3 =	vadd.s32 @!p0 v6, v3;
	s3 =	simm.s32 @!p0 $0x16000  }
0x316: {  	[tilespmem:s3], [sflag:$0x6] =	stream.indirect_vreg.gather @!p0 [hbm4b:s8+s2], $0x80, v4, vm1, $0xb8;
	[tilespmem:$0x19000] =	vst v63  }
0x317: {  	s3 =	simm.s32 @!p0 $0x16800  }
0x318: {  	[tilespmem:s3], [sflag:$0x6] =	stream.indirect_vreg.gather @!p0 [hbm4b:s9+s2], $0x80, v4, vm1, $0xb8;
	[tilespmem:$0x19000] =	vst v63  }
0x319: {  	s3 =	simm.s32 @!p0 $0x17000  }
0x31a: {  	[tilespmem:s3], [sflag:$0x6] =	stream.indirect_vreg.gather @!p0 [hbm4b:s1+s2], $0x80, v3, vm1, $0xb8;
	[tilespmem:$0x19000] =	vst v63  }
0x31b: {  	s3 =	simm.s32 @!p0 $0x17800  }
0x31c: {  	[tilespmem:s3], [sflag:$0x6] =	stream.indirect_vreg.gather @!p0 [hbm4b:s7+s2], $0x80, v3, vm1, $0xb8;
	[tilespmem:$0x19000] =	vst v63  }
0x31d: {  	s3 =	simm.s32 @!p0 $0x18000  }
0x31e: {  	[tilespmem:s3], [sflag:$0x6] =	stream.indirect_vreg.gather @!p0 [hbm4b:s8+s2], $0x80, v3, vm1, $0xb8;
	[tilespmem:$0x19000] =	vst v63  }
0x31f: {  	s3 =	simm.s32 @!p0 $0x18800  }
0x320: {  	[tilespmem:s3], [sflag:$0x6] =	stream.indirect_vreg.gather @!p0 [hbm4b:s9+s2], $0x80, v3, vm1, $0xb8;
	[tilespmem:$0x19000] =	vst v63  }
0x321: {  	_ =	swait.ge [sflag:s20], $0x4000  }
0x322: {  	s29 =	simm.s32 $0x0;
	[sflag:s20] =	ssyncset.done $0x0  }
0x323: {  	s14 =	simm.s32 $0x0;
	s3 =	simm.s32 $0x0;
	[sflag:s20] =	ssyncadd.s32 $0xFFFFC000  }
0x324: {  	s2 =	sand.u32 $0x2000, s29;
	s30 =	sand.u32 $0x1C00, s3;
	_ =	swait.ge [sflag:s21], $0x4000  }
0x325: {  	s31 =	sand.u32 $0x380, s14;
	s2 =	sor.u32 s30, s2;
	[sflag:s21] =	ssyncset.done $0x0  }
0x326: {  	s13 =	sor.u32 s31, s2;
	[sflag:s21] =	ssyncadd.s32 $0xFFFFC000  }
0x327: {  	v3 =	vld [tilespmem:s13+$0x9070]  }
0x328: {  	v4 =	vld [tilespmem:s13+$0xD070]  }
0x329: {  	v5 =	vld [tilespmem:s13+$0x9000]  }
0x32a: {  	v6 =	vld [tilespmem:s13+$0xD000]  }
0x32b: {  	v8 =	vld [tilespmem:s13+$0x9010]  }
0x32c: {  	v9 =	vld [tilespmem:s13+$0xD010]  }
0x32d: {  	v10 =	vld [tilespmem:s13+$0x9020]  }
0x32e: {  	v11 =	vld [tilespmem:s13+$0x9030]  }
0x32f: {  	v12 =	vld [tilespmem:s13+$0xD030]  }
0x330: {  	v13 =	vld [tilespmem:s13+$0x9040]  }
0x331: {  	v14 =	vld [tilespmem:s13+$0xD040]  }
0x332: {  	v7 =	vld [tilespmem:s13+$0xD050];
	v3 =	vadd.f32 v4, v3  }
0x333: {  	v4 =	vld [tilespmem:s13+$0xD020]  }
0x334: {  	[tilespmem:s13+$0x5070] =	vst.add.f32.msk $0xffff, v3;
	v3 =	vadd.f32 v6, v5  }
0x335: {  	v5 =	vld [tilespmem:s13+$0x9050]  }
0x336: {  	[tilespmem:s13+$0x5000] =	vst.add.f32.msk $0xffff, v3  }
0x337: {  	v3 =	vld [tilespmem:s13+$0x9060]  }
0x338: {  	v15 =	vadd.f32 v9, v8;
	v6 =	vadd.f32 v4, v10;
	v4 =	vld [tilespmem:s13+$0xD060];
	_ =	sdelay $0x1  }
0x339: {  	s14 =	simm.s32 $0x0;
	v8 =	vadd.f32 v12, v11;
	v9 =	vadd.f32 v14, v13;
	[tilespmem:s13+$0x5010] =	vst.add.f32.msk $0xffff, v15  }
.LBB2_17:
0x33a: {  	s14 =	sadd.s32 $0x8, s14;
	[tilespmem:s13+$0x5020] =	vst.add.f32.msk $0xffff, v6;
	v5 =	vadd.f32 v7, v5  }
0x33b: {  	s3 =	sadd.s32 $0x400, s3;
	s2 =	sshll.u32 s14, $0x4;
	p1 =	slt.u32 s14, $0x3F8;
	[tilespmem:s13+$0x5030] =	vst.add.f32.msk $0xffff, v8  }
0x33c: {  	s15 =	sand.u32 $0x1C00, s3;
	s16 =	sshll.u32 s14, $0x1;
	s2 =	sand.u32 $0x2000, s2;
	[tilespmem:s13+$0x5040] =	vst.add.f32.msk $0xffff, v9;
	v3 =	vadd.f32 v4, v3  }
0x33d: {  	s2 =	sor.u32 s15, s2;
	s15 =	sand.u32 $0x380, s16;
	[tilespmem:s13+$0x5050] =	vst.add.f32.msk $0xffff, v5  }
0x33e: {  	[tilespmem:s13+$0x5060] =	vst.add.f32.msk $0xffff, v3;
	s13 =	sor.u32 s15, s2  }
0x33f: {  	v3 =	vld [tilespmem:s13+$0x9070]  }
0x340: {  	v4 =	vld [tilespmem:s13+$0xD070]  }
0x341: {  	v5 =	vld [tilespmem:s13+$0x9000]  }
0x342: {  	v6 =	vld [tilespmem:s13+$0xD000]  }
0x343: {  	v7 =	vld [tilespmem:s13+$0x9010]  }
0x344: {  	v8 =	vld [tilespmem:s13+$0xD010]  }
0x345: {  	v9 =	vld [tilespmem:s13+$0x9020];
	v3 =	vadd.f32 v4, v3  }
0x346: {  	v4 =	vld [tilespmem:s13+$0xD020]  }
0x347: {  	v10 =	vadd.f32 v6, v5;
	[tilespmem:s13+$0x5070] =	vst.add.f32.msk $0xffff, v3  }
0x348: {  	v3 =	vld [tilespmem:s13+$0x9030]  }
0x349: {  	v11 =	vadd.f32 v8, v7;
	v8 =	vld [tilespmem:s13+$0xD030]  }
0x34a: {  	v12 =	vld [tilespmem:s13+$0x9040]  }
0x34b: {  	v6 =	vadd.f32 v4, v9;
	v9 =	vld [tilespmem:s13+$0xD040]  }
0x34c: {  	v5 =	vld [tilespmem:s13+$0x9050]  }
.Ltmp7:
0x34d: {  	v7 =	vld [tilespmem:s13+$0xD050];
	(pc) =	sbr.rel @p1 .LBB2_17-.Ltmp7, $4  }
0x34e: {  	v8 =	vadd.f32 v8, v3;
	v3 =	vld [tilespmem:s13+$0x9060]  }
0x34f: {  	v4 =	vld [tilespmem:s13+$0xD060]  }
0x350: {  	[tilespmem:s13+$0x5000] =	vst.add.f32.msk $0xffff, v10;
	v9 =	vadd.f32 v9, v12  }
0x351: {  	[tilespmem:s13+$0x5010] =	vst.add.f32.msk $0xffff, v11  }
0x352: {  	[tilespmem:s13+$0x5020] =	vst.add.f32.msk $0xffff, v6  }
0x353: {  	v5 =	vadd.f32 v7, v5;
	[tilespmem:s13+$0x5030] =	vst.add.f32.msk $0xffff, v8  }
0x354: {  	[tilespmem:s13+$0x5040] =	vst.add.f32.msk $0xffff, v9;
	v3 =	vadd.f32 v4, v3  }
0x355: {  	[tilespmem:s13+$0x5050] =	vst.add.f32.msk $0xffff, v5  }
0x356: {  	[tilespmem:s13+$0x5060] =	vst.add.f32.msk $0xffff, v3  }
0x357: {  	v3 =	vld @!p0 [tilespmem:s0+$0x80];
	_ =	sdelay $0x4  }
0x358: {  	v4 =	vshll.u32 @!p0 v3, $0x3  }
0x359: {  	v5 =	vlaneseq.u32 @!p0;
	v3 =	vand.u32 @!p0 $0x7, v3;
	v4 =	vand.u32 @!p0 $0xFFFFFFC0, v4  }
0x35a: {  	v6 =	vshrl.u32 @!p0 v5, $0x3;
	v3 =	vor.u32 @!p0 v3, v4;
	v4 =	vand.u32 @!p0 $0x7, v5  }
0x35b: {  	v6 =	vmul.u32 @!p0 $0x8, v6;
	v7 =	vperm.xlane @!p0 v3, v4;
	_ =	sdelay $0x1  }
0x35c: {  	v7 =	vadd.s32 @!p0 v6, v7;
	_ =	sdelay $0x3  }
0x35d: {  	s2 =	simm.s32 @!p0 $0x0;
	s3 =	simm.s32 @!p0 $0x9000  }
0x35e: {  	v5 =	vor.u32 @!p0 $0x8, v5;
	[tilespmem:s3], [sflag:$0x3] =	stream.indirect_vreg.gather @!p0 [hbm4b:s1+s2], $0x80, v7, vm1, $0xb8;
	[tilespmem:$0x19000] =	vst v63  }
0x35f: {  	v3 =	vperm.xlane @!p0 v3, v5;
	s3 =	simm.s32 @!p0 $0x9800  }
0x360: {  	[tilespmem:s3], [sflag:$0x3] =	stream.indirect_vreg.gather @!p0 [hbm4b:s7+s2], $0x80, v7, vm1, $0xb8;
	[tilespmem:$0x19000] =	vst v63  }
0x361: {  	v3 =	vadd.s32 @!p0 v6, v3;
	s3 =	simm.s32 @!p0 $0xA000  }
0x362: {  	[tilespmem:s3], [sflag:$0x3] =	stream.indirect_vreg.gather @!p0 [hbm4b:s8+s2], $0x80, v7, vm1, $0xb8;
	[tilespmem:$0x19000] =	vst v63  }
0x363: {  	s3 =	simm.s32 @!p0 $0xA800  }
0x364: {  	[tilespmem:s3], [sflag:$0x3] =	stream.indirect_vreg.gather @!p0 [hbm4b:s9+s2], $0x80, v7, vm1, $0xb8;
	[tilespmem:$0x19000] =	vst v63  }
0x365: {  	s3 =	simm.s32 @!p0 $0xB000  }
0x366: {  	[tilespmem:s3], [sflag:$0x3] =	stream.indirect_vreg.gather @!p0 [hbm4b:s1+s2], $0x80, v3, vm1, $0xb8;
	[tilespmem:$0x19000] =	vst v63  }
0x367: {  	s3 =	simm.s32 @!p0 $0xB800  }
0x368: {  	[tilespmem:s3], [sflag:$0x3] =	stream.indirect_vreg.gather @!p0 [hbm4b:s7+s2], $0x80, v3, vm1, $0xb8;
	[tilespmem:$0x19000] =	vst v63  }
0x369: {  	s3 =	simm.s32 @!p0 $0xC000  }
0x36a: {  	[tilespmem:s3], [sflag:$0x3] =	stream.indirect_vreg.gather @!p0 [hbm4b:s8+s2], $0x80, v3, vm1, $0xb8;
	[tilespmem:$0x19000] =	vst v63  }
0x36b: {  	s3 =	simm.s32 @!p0 $0xC800  }
0x36c: {  	[tilespmem:s3], [sflag:$0x3] =	stream.indirect_vreg.gather @!p0 [hbm4b:s9+s2], $0x80, v3, vm1, $0xb8;
	[tilespmem:$0x19000] =	vst v63  }
0x36d: {  	v3 =	vld @!p0 [tilespmem:s0+$0x100];
	_ =	sdelay $0x4  }
0x36e: {  	v7 =	vshll.u32 @!p0 v3, $0x3  }
0x36f: {  	v3 =	vand.u32 @!p0 $0x7, v3;
	v7 =	vand.u32 @!p0 $0xFFFFFFC0, v7  }
0x370: {  	v3 =	vor.u32 @!p0 v3, v7  }
0x371: {  	v4 =	vperm.xlane @!p0 v3, v4;
	_ =	sdelay $0x1  }
0x372: {  	v4 =	vadd.s32 @!p0 v6, v4;
	_ =	sdelay $0x3  }
0x373: {  	s3 =	simm.s32 @!p0 $0xD000  }
0x374: {  	[tilespmem:s3], [sflag:$0x4] =	stream.indirect_vreg.gather @!p0 [hbm4b:s1+s2], $0x80, v4, vm1, $0xb8;
	[tilespmem:$0x19000] =	vst v63  }
0x375: {  	v3 =	vperm.xlane @!p0 v3, v5;
	s3 =	simm.s32 @!p0 $0xD800  }
0x376: {  	[tilespmem:s3], [sflag:$0x4] =	stream.indirect_vreg.gather @!p0 [hbm4b:s7+s2], $0x80, v4, vm1, $0xb8;
	[tilespmem:$0x19000] =	vst v63  }
0x377: {  	v3 =	vadd.s32 @!p0 v6, v3;
	s3 =	simm.s32 @!p0 $0xE000  }
0x378: {  	[tilespmem:s3], [sflag:$0x4] =	stream.indirect_vreg.gather @!p0 [hbm4b:s8+s2], $0x80, v4, vm1, $0xb8;
	[tilespmem:$0x19000] =	vst v63  }
0x379: {  	s3 =	simm.s32 @!p0 $0xE800  }
0x37a: {  	[tilespmem:s3], [sflag:$0x4] =	stream.indirect_vreg.gather @!p0 [hbm4b:s9+s2], $0x80, v4, vm1, $0xb8;
	[tilespmem:$0x19000] =	vst v63  }
0x37b: {  	s3 =	simm.s32 @!p0 $0xF000  }
0x37c: {  	[tilespmem:s3], [sflag:$0x4] =	stream.indirect_vreg.gather @!p0 [hbm4b:s1+s2], $0x80, v3, vm1, $0xb8;
	[tilespmem:$0x19000] =	vst v63  }
0x37d: {  	s3 =	simm.s32 @!p0 $0xF800  }
0x37e: {  	[tilespmem:s3], [sflag:$0x4] =	stream.indirect_vreg.gather @!p0 [hbm4b:s7+s2], $0x80, v3, vm1, $0xb8;
	[tilespmem:$0x19000] =	vst v63  }
0x37f: {  	s3 =	simm.s32 @!p0 $0x10000  }
0x380: {  	[tilespmem:s3], [sflag:$0x4] =	stream.indirect_vreg.gather @!p0 [hbm4b:s8+s2], $0x80, v3, vm1, $0xb8;
	[tilespmem:$0x19000] =	vst v63  }
0x381: {  	s3 =	simm.s32 @!p0 $0x10800  }
0x382: {  	[tilespmem:s3], [sflag:$0x4] =	stream.indirect_vreg.gather @!p0 [hbm4b:s9+s2], $0x80, v3, vm1, $0xb8;
	[tilespmem:$0x19000] =	vst v63  }
0x383: {  	s29 =	simm.s32 $0x0;
	s14 =	simm.s32 $0x0;
	s3 =	simm.s32 $0x0  }
0x384: {  	s2 =	sand.u32 $0x2000, s29;
	_ =	swait.ge [sflag:s22], $0x4000;
	s30 =	sand.u32 $0x1800, s3  }
0x385: {  	s31 =	sand.u32 $0x380, s14;
	[sflag:s22] =	ssyncset.done $0x0;
	s2 =	sor.u32 s30, s2  }
0x386: {  	[sflag:s22] =	ssyncadd.s32 $0xFFFFC000;
	s13 =	sor.u32 s31, s2  }
0x387: {  	v3 =	vld [tilespmem:s13+$0x11470]  }
0x388: {  	v8 =	vld [tilespmem:s13+$0x11000]  }
0x389: {  	v63 =	vld [tilespmem:s13+$0x11010]  }
0x38a: {  	v10 =	vld [tilespmem:s13+$0x11020]  }
0x38b: {  	v11 =	vld [tilespmem:s13+$0x11030]  }
0x38c: {  	v12 =	vld [tilespmem:s13+$0x11040]  }
0x38d: {  	v13 =	vld [tilespmem:s13+$0x11050]  }
0x38e: {  	v14 =	vld [tilespmem:s13+$0x11060]  }
0x38f: {  	v15 =	vld [tilespmem:s13+$0x11070]  }
0x390: {  	v16 =	vld [tilespmem:s13+$0x11400]  }
0x391: {  	v17 =	vld [tilespmem:s13+$0x11410]  }
0x392: {  	v7 =	vld [tilespmem:s13+$0x11420]  }
0x393: {  	v6 =	vld [tilespmem:s13+$0x11430]  }
0x394: {  	v5 =	vld [tilespmem:s13+$0x11440]  }
0x395: {  	v4 =	vld [tilespmem:s13+$0x11460]  }
0x396: {  	[tilespmem:s13+$0x5470] =	vst.add.f32.msk $0xffff, v3  }
0x397: {  	v3 =	vld [tilespmem:s13+$0x11450]  }
0x398: {  	[tilespmem:s13+$0x5000] =	vst.add.f32.msk $0xffff, v8  }
0x399: {  	[tilespmem:s13+$0x5010] =	vst.add.f32.msk $0xffff, v63  }
0x39a: {  	[tilespmem:s13+$0x5020] =	vst.add.f32.msk $0xffff, v10  }
0x39b: {  	[tilespmem:s13+$0x5030] =	vst.add.f32.msk $0xffff, v11  }
0x39c: {  	[tilespmem:s13+$0x5040] =	vst.add.f32.msk $0xffff, v12  }
0x39d: {  	[tilespmem:s13+$0x5050] =	vst.add.f32.msk $0xffff, v13  }
0x39e: {  	[tilespmem:s13+$0x5060] =	vst.add.f32.msk $0xffff, v14  }
0x39f: {  	[tilespmem:s13+$0x5070] =	vst.add.f32.msk $0xffff, v15  }
0x3a0: {  	[tilespmem:s13+$0x5400] =	vst.add.f32.msk $0xffff, v16  }
0x3a1: {  	s14 =	simm.s32 $0x0;
	[tilespmem:s13+$0x5410] =	vst.add.f32.msk $0xffff, v17  }
.LBB2_19:
0x3a2: {  	s14 =	sadd.s32 $0x10, s14;
	[tilespmem:s13+$0x5420] =	vst.add.f32.msk $0xffff, v7  }
0x3a3: {  	s3 =	sadd.s32 $0x800, s3;
	s2 =	sshll.u32 s14, $0x4;
	p1 =	slt.u32 s14, $0x3F0;
	[tilespmem:s13+$0x5430] =	vst.add.f32.msk $0xffff, v6  }
0x3a4: {  	s15 =	sand.u32 $0x1800, s3;
	s16 =	sshll.u32 s14, $0x1;
	s2 =	sand.u32 $0x2000, s2;
	[tilespmem:s13+$0x5440] =	vst.add.f32.msk $0xffff, v5  }
0x3a5: {  	s2 =	sor.u32 s15, s2;
	s15 =	sand.u32 $0x380, s16;
	[tilespmem:s13+$0x5450] =	vst.add.f32.msk $0xffff, v3  }
0x3a6: {  	[tilespmem:s13+$0x5460] =	vst.add.f32.msk $0xffff, v4;
	s13 =	sor.u32 s15, s2  }
0x3a7: {  	v3 =	vld [tilespmem:s13+$0x11470]  }
0x3a8: {  	v8 =	vld [tilespmem:s13+$0x11000]  }
0x3a9: {  	v9 =	vld [tilespmem:s13+$0x11010]  }
0x3aa: {  	v10 =	vld [tilespmem:s13+$0x11020]  }
0x3ab: {  	v11 =	vld [tilespmem:s13+$0x11030]  }
0x3ac: {  	[tilespmem:s13+$0x5470] =	vst.add.f32.msk $0xffff, v3  }
0x3ad: {  	v12 =	vld [tilespmem:s13+$0x11040]  }
0x3ae: {  	v13 =	vld [tilespmem:s13+$0x11050]  }
0x3af: {  	v14 =	vld [tilespmem:s13+$0x11060]  }
0x3b0: {  	v15 =	vld [tilespmem:s13+$0x11070]  }
0x3b1: {  	v16 =	vld [tilespmem:s13+$0x11400]  }
0x3b2: {  	v17 =	vld [tilespmem:s13+$0x11410]  }
0x3b3: {  	v7 =	vld [tilespmem:s13+$0x11420]  }
0x3b4: {  	v6 =	vld [tilespmem:s13+$0x11430]  }
0x3b5: {  	v5 =	vld [tilespmem:s13+$0x11440]  }
0x3b6: {  	v3 =	vld [tilespmem:s13+$0x11450]  }
0x3b7: {  	v4 =	vld [tilespmem:s13+$0x11460]  }
0x3b8: {  	[tilespmem:s13+$0x5000] =	vst.add.f32.msk $0xffff, v8  }
0x3b9: {  	[tilespmem:s13+$0x5010] =	vst.add.f32.msk $0xffff, v9  }
0x3ba: {  	[tilespmem:s13+$0x5020] =	vst.add.f32.msk $0xffff, v10  }
0x3bb: {  	[tilespmem:s13+$0x5030] =	vst.add.f32.msk $0xffff, v11  }
0x3bc: {  	[tilespmem:s13+$0x5040] =	vst.add.f32.msk $0xffff, v12  }
.Ltmp8:
0x3bd: {  	[tilespmem:s13+$0x5050] =	vst.add.f32.msk $0xffff, v13;
	(pc) =	sbr.rel @p1 .LBB2_19-.Ltmp8, $4  }
0x3be: {  	[tilespmem:s13+$0x5060] =	vst.add.f32.msk $0xffff, v14  }
0x3bf: {  	[tilespmem:s13+$0x5070] =	vst.add.f32.msk $0xffff, v15  }
0x3c0: {  	[tilespmem:s13+$0x5400] =	vst.add.f32.msk $0xffff, v16  }
0x3c1: {  	[tilespmem:s13+$0x5410] =	vst.add.f32.msk $0xffff, v17  }
0x3c2: {  	[tilespmem:s13+$0x5420] =	vst.add.f32.msk $0xffff, v7  }
0x3c3: {  	[tilespmem:s13+$0x5430] =	vst.add.f32.msk $0xffff, v6  }
0x3c4: {  	[tilespmem:s13+$0x5440] =	vst.add.f32.msk $0xffff, v5  }
0x3c5: {  	[tilespmem:s13+$0x5450] =	vst.add.f32.msk $0xffff, v3  }
0x3c6: {  	[tilespmem:s13+$0x5460] =	vst.add.f32.msk $0xffff, v4  }
0x3c7: {  	v3 =	vld @!p0 [tilespmem:s0+$0x180];
	_ =	sdelay $0x4  }
0x3c8: {  	v4 =	vshll.u32 @!p0 v3, $0x3  }
0x3c9: {  	v5 =	vlaneseq.u32 @!p0;
	v3 =	vand.u32 @!p0 $0x7, v3;
	v4 =	vand.u32 @!p0 $0xFFFFFFC0, v4  }
0x3ca: {  	v6 =	vshrl.u32 @!p0 v5, $0x3;
	v3 =	vor.u32 @!p0 v3, v4;
	v4 =	vand.u32 @!p0 $0x7, v5  }
0x3cb: {  	v6 =	vmul.u32 @!p0 $0x8, v6;
	v4 =	vperm.xlane @!p0 v3, v4;
	_ =	sdelay $0x1  }
0x3cc: {  	v4 =	vadd.s32 @!p0 v6, v4;
	_ =	sdelay $0x3  }
0x3cd: {  	s2 =	simm.s32 @!p0 $0x11000;
	s0 =	simm.s32 @!p0 $0x0  }
0x3ce: {  	v5 =	vor.u32 @!p0 $0x8, v5;
	[tilespmem:s2], [sflag:$0x5] =	stream.indirect_vreg.gather @!p0 [hbm4b:s1+s0], $0x80, v4, vm1, $0xb8;
	[tilespmem:$0x19000] =	vst v63  }
0x3cf: {  	v3 =	vperm.xlane @!p0 v3, v5;
	s2 =	simm.s32 @!p0 $0x11800  }
0x3d0: {  	[tilespmem:s2], [sflag:$0x5] =	stream.indirect_vreg.gather @!p0 [hbm4b:s7+s0], $0x80, v4, vm1, $0xb8;
	[tilespmem:$0x19000] =	vst v63  }
0x3d1: {  	v3 =	vadd.s32 @!p0 v6, v3;
	s2 =	simm.s32 @!p0 $0x12000  }
0x3d2: {  	[tilespmem:s2], [sflag:$0x5] =	stream.indirect_vreg.gather @!p0 [hbm4b:s8+s0], $0x80, v4, vm1, $0xb8;
	[tilespmem:$0x19000] =	vst v63  }
0x3d3: {  	s2 =	simm.s32 @!p0 $0x12800  }
0x3d4: {  	[tilespmem:s2], [sflag:$0x5] =	stream.indirect_vreg.gather @!p0 [hbm4b:s9+s0], $0x80, v4, vm1, $0xb8;
	[tilespmem:$0x19000] =	vst v63  }
0x3d5: {  	s2 =	simm.s32 @!p0 $0x13000  }
0x3d6: {  	[tilespmem:s2], [sflag:$0x5] =	stream.indirect_vreg.gather @!p0 [hbm4b:s1+s0], $0x80, v3, vm1, $0xb8;
	[tilespmem:$0x19000] =	vst v63  }
0x3d7: {  	s2 =	simm.s32 @!p0 $0x13800  }
0x3d8: {  	[tilespmem:s2], [sflag:$0x5] =	stream.indirect_vreg.gather @!p0 [hbm4b:s7+s0], $0x80, v3, vm1, $0xb8;
	[tilespmem:$0x19000] =	vst v63  }
0x3d9: {  	s2 =	simm.s32 @!p0 $0x14000  }
0x3da: {  	[tilespmem:s2], [sflag:$0x5] =	stream.indirect_vreg.gather @!p0 [hbm4b:s8+s0], $0x80, v3, vm1, $0xb8;
	[tilespmem:$0x19000] =	vst v63  }
0x3db: {  	s26 =	sadd.s32 $0x1, s26;
	s2 =	simm.s32 @!p0 $0x14800  }
0x3dc: {  	[tilespmem:s2], [sflag:$0x5] =	stream.indirect_vreg.gather @!p0 [hbm4b:s9+s0], $0x80, v3, vm1, $0xb8;
	[tilespmem:$0x19000] =	vst v63  }
0x3dd: {  	p0 =	sne.s32 s26, $0x10  }
.Ltmp9:
0x3de: {  	_ = 	snop;
	(pc) =	sbr.rel @p0 .LBB2_4-.Ltmp9, $4  }
0x3df: {  	s30 =	sadd.s32 s5, s28  }
0x3e0: {  	s31 =	rddreg [dreg:$0x2];
	s0 =	sshll.u32 s30, $0x7  }
0x3e1: {  	s15 =	simm.s32 $0x5000;
	s0 =	sadd.s32 s31, s0  }
0x3e2: {  	[hbm4b:s0+s4] =	stream.linear.scatter [tilespmem:s15], [sflag:$0x8], $0x4000, $0x38;
	[tilespmem:$0x19000] =	vst v63  }
0x3e3: {  	s2 =	simm.s32 $0x8  }
0x3e4: {  	_ =	swait.ge [sflag:s2], $0x4000  }
0x3e5: {  	s3 =	rddreg [dreg:$0x6]  }
0x3e6: {  	s0 =	rddreg [dreg:$0x5];
	s3 =	sadd.s32 $0x1, s3  }
0x3e7: {  	p0 =	sne.s32 s3, s0  }
.Ltmp10:
0x3e8: {  	_ = 	snop;
	(pc) =	sbr.rel @p0 .LBB2_1-.Ltmp10, $3  }
0x3e9: {  	_ =	sdelay $0x1  }
0x3ea: {  	[sflag:s2] =	ssyncset.done $0x0  }
0x3eb: {  	[sflag:s2] =	ssyncadd.s32 $0xFFFFC000  }
0x3ec: {  	_ =	sfence.sel $0x180000  }
0x3ed: {  	[bflag:$0x0] =	sbarrier.arrive $0xFFFF  }
0x3ee: {  	_ =	strace $0x90000047  }
0x3ef: {  	s0 =	stileid.u32;
	[bflag:$0x2] =	sbarrier.arrive $0xFFFF  }
0x3f0: {  	p0 =	sne.s32 s0, $0x0;
	s0 =	rddreg [dreg:$0x3]  }
0x3f1: {  	s0 =	sadd.s32 @!p0 $0x100000, s0  }
0x3f2: {  	[sflag:s0] =	ssyncadd.tile.s32 @!p0 $0x1;
	_ =	shalt  }
.Lfunc_end2:
_tile_overlayer_lowered:
.L_overlay_start_2:
0x3f3: {  	(tag) =	ssettag $0x2  }
0x3f4: {  	s0 =	rddreg [dreg:$0x0];
	s2 =	stileid.u32  }
0x3f5: {  	s1 =	rddreg [dreg:$0x1];
	p0 =	sne.s32 s2, $0x0  }
0x3f6: {  	s3 =	rddreg [dreg:$0x2];
	[bflag:$0x3] =	sbarrier.arrive $0xFFFF;
	s2 =	simm.s32 @!p0 $0x1C09  }
0x3f7: {  	[timem:s3], [sflag:s2] =	dma.local @!p0 [hbm:s0], s1  }
0x3f8: {  	s0 =	simm.s32 @!p0 $0x9  }
0x3f9: {  	_ =	swait.ge @!p0 [sflag:s0], s1  }
0x3fa: {  	s1 =	ssub.s32 @!p0 $0x0, s1;
	[sflag:s0] =	ssyncset.done @!p0 $0x0  }
0x3fb: {  	[sflag:s0] =	ssyncadd.s32 @!p0 s1  }
0x3fc: {  	[bflag:$0x3] =	sbarrier.arrive $0xFFFF  }
0x3fd: {  	_ =	shalt  }

</sc_bundles>
